<compile_context>
chip_gen: v7x
topology: tpu7x:2x2x1
jax: 0.10.2.dev20260603
libtpu: 0.0.44.dev20260713+nightly
codegen_flags: <defaults>
</compile_context>

<pallas_src>
import functools

import jax
import jax.numpy as jnp
from jax import lax
from jax.experimental import pallas as pl
from jax.experimental.pallas import tpu as pltpu
from jax.experimental.pallas import tpu_sc as plsc

_NC = 2
_NS = 16
_NW = _NC * _NS
_IW = 128
_K = 2
_SUP = _K * _IW


@functools.cache
def _make_lookup(B: int, DP: int):
    assert B % (_NW * _SUP) == 0
    b_per_w = B // _NW
    n_sup = b_per_w // _SUP
    assert n_sup % 2 == 0
    mesh = plsc.VectorSubcoreMesh(core_axis_name="c", subcore_axis_name="s")

    @functools.partial(
        pl.kernel,
        mesh=mesh,
        out_type=jax.ShapeDtypeStruct((B, DP), jnp.float32),
        scratch_types=[
            pltpu.VMEM((2, _K, _IW), jnp.int32),
            pltpu.VMEM((2, _SUP, DP), jnp.float32),
            pltpu.SemaphoreType.DMA,
            pltpu.SemaphoreType.DMA,
            pltpu.SemaphoreType.DMA,
            pltpu.SemaphoreType.DMA,
        ],
        compiler_params=pltpu.CompilerParams(use_tc_tiling_on_sc=True),
    )
    def lookup(idx_hbm, table_hbm, out_hbm, idx_v, rows_v, sg0, sg1, so0, so1):
        wid = lax.axis_index("s") * _NC + lax.axis_index("c")
        base = wid * b_per_w
        irow = wid * (b_per_w // _IW)
        sg = (sg0, sg1)
        so = (so0, so1)

        def load_and_fire(g, b):
            pltpu.sync_copy(idx_hbm.at[pl.ds(irow + g * _K, _K)], idx_v.at[b])
            for j in range(_K):
                pltpu.make_async_copy(
                    table_hbm.at[idx_v.at[b].at[j]],
                    rows_v.at[b].at[pl.ds(j * _IW, _IW)],
                    sg[b],
                ).start()

        def drain_and_writeback(g, b):
            pltpu.make_async_copy(
                out_hbm.at[pl.ds(base + g * _SUP, _SUP)], rows_v.at[b], sg[b]
            ).wait()
            pltpu.make_async_copy(
                rows_v.at[b], out_hbm.at[pl.ds(base + g * _SUP, _SUP)], so[b]
            ).start()

        def wait_writeback(g, b):
            pltpu.make_async_copy(
                rows_v.at[b], out_hbm.at[pl.ds(base + g * _SUP, _SUP)], so[b]
            ).wait()

        load_and_fire(0, 0)
        load_and_fire(1, 1)
        drain_and_writeback(0, 0)

        def body(i, carry):
            g0 = 2 * i
            g1 = g0 + 1
            wait_writeback(g0 - 2, 0)
            load_and_fire(g0, 0)
            drain_and_writeback(g0 - 1, 1)
            wait_writeback(g1 - 2, 1)
            load_and_fire(g1, 1)
            drain_and_writeback(g0, 0)
            return carry

        lax.fori_loop(1, n_sup // 2, body, 0)

        wait_writeback(n_sup - 2, 0)
        drain_and_writeback(n_sup - 1, 1)
        wait_writeback(n_sup - 1, 1)

    return lookup


def kernel(token_ids, weight):
    bsz, seq = token_ids.shape
    n, d = weight.shape
    idx2d = token_ids.reshape(-1, _IW).astype(jnp.int32)
    w_pad = jnp.pad(weight, ((0, 0), (0, _IW - d)))
    out = _make_lookup(bsz * seq, _IW)(idx2d, w_pad)
    return out[:, :d].reshape(bsz, seq, d)

# --- scband reference (transcript-rebuilt; emitter-appended) ---
"""Pipeline reference for scband-embedding-16698832847290 (READ-ONLY COPY).

The authoritative reference and input builder live on the scoring server;
editing this copy changes nothing except your own understanding.
"""

import jax, jax.numpy as jnp
import numpy as np

NUM_EMBEDDINGS = 1000000
EMBEDDING_DIM = 64


def setup_inputs(seed: int = 0) -> dict:
    key = jax.random.key(seed)
    k_idx, k_w = jax.random.split(key)
    token_ids = jax.random.randint(k_idx, (4096, 200), 0, NUM_EMBEDDINGS, dtype=jnp.int64 if jax.config.read('jax_enable_x64') else jnp.int32)
    # trunc_normal_(mean=0, std=1, a=-3, b=3)
    weight = jax.random.truncated_normal(k_w, -3.0, 3.0, (NUM_EMBEDDINGS, EMBEDDING_DIM), dtype=jnp.float32)
    return {"token_ids": token_ids, "weight": weight}


def reference(token_ids, weight):
    # Embedding lookup: weight[token_ids] -> [B, L, D]
    return jnp.take(weight, token_ids, axis=0)

if __name__ == "__main__":
    import jax
    _d = setup_inputs()
    print(jax.jit(kernel)(*tuple(_d.values())))

</pallas_src>

<mosaic_0001>
#map = affine_map<(d0, d1) -> (0, 0)>
module attributes {stable_mosaic.version = 14 : i64} {
  func.func @lookup(%arg0: i32, %arg1: i32, %arg2: memref<6400x128xi32, #tpu.memory_space<hbm>>, %arg3: memref<1000000x128xf32, #tpu.memory_space<hbm>>, %arg4: memref<819200x128xf32, #tpu.memory_space<hbm>>, %arg5: memref<2x2x128xi32, #tpu.memory_space<vmem>>, %arg6: memref<2x256x128xf32, #tpu.memory_space<vmem>>, %arg7: memref<!tpu.dma_semaphore, #tpu.memory_space<semaphore_mem>>, %arg8: memref<!tpu.dma_semaphore, #tpu.memory_space<semaphore_mem>>, %arg9: memref<!tpu.dma_semaphore, #tpu.memory_space<semaphore_mem>>, %arg10: memref<!tpu.dma_semaphore, #tpu.memory_space<semaphore_mem>>) attributes {dimension_semantics = [#tpu.dimension_semantics<core_parallel>, #tpu.dimension_semantics<subcore_parallel>], iteration_bounds = array<i64: 2, 16>, scalar_prefetch = 0 : i64, scratch_operands = 6 : i64, tpu.core_type = #tpu.core_type<sc_vector_subcore>, window_params = [{transform_indices = #map}, {transform_indices = #map}, {transform_indices = #map}]} {
    %mul3A = arith.constant 2 : i32
    %mul3A_0 = arith.muli %arg1, %mul3A : i32
    %add3A = arith.addi %mul3A_0, %arg0 : i32
    %mul3A_1 = arith.constant 25600 : i32
    %mul3A_2 = arith.muli %add3A, %mul3A_1 : i32
    %mul3A_3 = arith.constant 200 : i32
    %mul3A_4 = arith.muli %add3A, %mul3A_3 : i32
    %add3A_5 = arith.constant 0 : i32
    %add3A_6 = arith.addi %mul3A_4, %add3A_5 : i32
    %run_scoped3A = arith.constant 0 : i32
    "tpu.region"() ({
      %run_scoped3A_183 = tpu.sem_alloc : memref<!tpu.dma_semaphore, #tpu.memory_space<semaphore_mem>>
      %dma_start3A_184 = arith.constant 0 : i32
      %dma_start3A_185 = arith.constant 0 : i32
      %dma_start3A_186 = tpu.memref_slice %arg5[%run_scoped3A, %dma_start3A_184, %dma_start3A_185] : memref<2x2x128xi32, #tpu.memory_space<vmem>> -> memref<1x2x128xi32, #tpu.memory_space<vmem>>
      %dma_start3A_187 = tpu.memref_squeeze %dma_start3A_186 : memref<1x2x128xi32, #tpu.memory_space<vmem>> -> memref<2x128xi32, #tpu.memory_space<vmem>>
      %dma_start3A_188 = arith.constant 0 : i32
      %dma_start3A_189 = tpu.memref_slice %arg2[%add3A_6, %dma_start3A_188] : memref<6400x128xi32, #tpu.memory_space<hbm>> -> memref<2x128xi32, #tpu.memory_space<hbm>>
      %dma_start3A_190 = arith.constant 0 : i32
      %dma_start3A_191 = arith.constant 0 : i32
      %dma_start3A_192 = tpu.memref_slice %arg5[%run_scoped3A, %dma_start3A_190, %dma_start3A_191] : memref<2x2x128xi32, #tpu.memory_space<vmem>> -> memref<1x2x128xi32, #tpu.memory_space<vmem>>
      %dma_start3A_193 = tpu.memref_squeeze %dma_start3A_192 : memref<1x2x128xi32, #tpu.memory_space<vmem>> -> memref<2x128xi32, #tpu.memory_space<vmem>>
      %dma_start3A_194 = arith.constant 0 : i32
      %dma_start3A_195 = tpu.memref_slice %arg2[%add3A_6, %dma_start3A_194] : memref<6400x128xi32, #tpu.memory_space<hbm>> -> memref<2x128xi32, #tpu.memory_space<hbm>>
      tpu.enqueue_dma source(%dma_start3A_195 : memref<2x128xi32, #tpu.memory_space<hbm>>) target(%dma_start3A_193 : memref<2x128xi32, #tpu.memory_space<vmem>>) target_semaphore(%run_scoped3A_183 : memref<!tpu.dma_semaphore, #tpu.memory_space<semaphore_mem>>)
      %dma_wait3A_196 = arith.constant 0 : i32
      %dma_wait3A_197 = arith.constant 0 : i32
      %dma_wait3A_198 = tpu.memref_slice %arg5[%run_scoped3A, %dma_wait3A_196, %dma_wait3A_197] : memref<2x2x128xi32, #tpu.memory_space<vmem>> -> memref<1x2x128xi32, #tpu.memory_space<vmem>>
      %dma_wait3A_199 = tpu.memref_squeeze %dma_wait3A_198 : memref<1x2x128xi32, #tpu.memory_space<vmem>> -> memref<2x128xi32, #tpu.memory_space<vmem>>
      %dma_wait3A_200 = arith.constant 0 : i32
      %dma_wait3A_201 = tpu.memref_slice %arg2[%add3A_6, %dma_wait3A_200] : memref<6400x128xi32, #tpu.memory_space<hbm>> -> memref<2x128xi32, #tpu.memory_space<hbm>>
      %dma_wait3A_202 = arith.constant 0 : i32
      %dma_wait3A_203 = arith.constant 0 : i32
      %dma_wait3A_204 = tpu.memref_slice %arg5[%run_scoped3A, %dma_wait3A_202, %dma_wait3A_203] : memref<2x2x128xi32, #tpu.memory_space<vmem>> -> memref<1x2x128xi32, #tpu.memory_space<vmem>>
      %dma_wait3A_205 = tpu.memref_squeeze %dma_wait3A_204 : memref<1x2x128xi32, #tpu.memory_space<vmem>> -> memref<2x128xi32, #tpu.memory_space<vmem>>
      %dma_wait3A_206 = arith.constant 0 : i32
      %dma_wait3A_207 = tpu.memref_slice %arg2[%add3A_6, %dma_wait3A_206] : memref<6400x128xi32, #tpu.memory_space<hbm>> -> memref<2x128xi32, #tpu.memory_space<hbm>>
      tpu.wait_dma2 semaphore(%run_scoped3A_183 : memref<!tpu.dma_semaphore, #tpu.memory_space<semaphore_mem>>) src(%dma_wait3A_207 : memref<2x128xi32, #tpu.memory_space<hbm>>) dst(%dma_wait3A_205 : memref<2x128xi32, #tpu.memory_space<vmem>>)
      tpu.yield
    }) : () -> ()
    %dma_start3A = arith.constant 0 : i32
    %dma_start3A_7 = arith.constant 0 : i32
    %dma_start3A_8 = arith.constant 0 : i32
    %dma_start3A_9 = arith.constant 0 : i32
    %dma_start3A_10 = arith.constant 0 : i32
    %dma_start3A_11 = tpu.memref_slice %arg6[%dma_start3A_8, %dma_start3A_9, %dma_start3A_10] : memref<2x256x128xf32, #tpu.memory_space<vmem>> -> memref<1x256x128xf32, #tpu.memory_space<vmem>>
    %dma_start3A_12 = tpu.memref_squeeze %dma_start3A_11 : memref<1x256x128xf32, #tpu.memory_space<vmem>> -> memref<256x128xf32, #tpu.memory_space<vmem>>
    %dma_start3A_13 = arith.constant 0 : i32
    %dma_start3A_14 = arith.constant 0 : i32
    %dma_start3A_15 = tpu.memref_slice %dma_start3A_12[%dma_start3A_13, %dma_start3A_14] : memref<256x128xf32, #tpu.memory_space<vmem>> -> memref<128x128xf32, #tpu.memory_space<vmem>>
    %dma_start3A_16 = arith.constant 0 : i32
    %dma_start3A_17 = arith.constant 0 : i32
    %dma_start3A_18 = tpu.memref_slice %arg5[%dma_start3A, %dma_start3A_16, %dma_start3A_17] : memref<2x2x128xi32, #tpu.memory_space<vmem>> -> memref<1x2x128xi32, #tpu.memory_space<vmem>>
    %dma_start3A_19 = tpu.memref_squeeze %dma_start3A_18 : memref<1x2x128xi32, #tpu.memory_space<vmem>> -> memref<2x128xi32, #tpu.memory_space<vmem>>
    %dma_start3A_20 = arith.constant 0 : i32
    %dma_start3A_21 = tpu.memref_slice %dma_start3A_19[%dma_start3A_7, %dma_start3A_20] : memref<2x128xi32, #tpu.memory_space<vmem>> -> memref<1x128xi32, #tpu.memory_space<vmem>>
    %dma_start3A_22 = tpu.memref_squeeze %dma_start3A_21 : memref<1x128xi32, #tpu.memory_space<vmem>> -> memref<128xi32, #tpu.memory_space<vmem>>
    %dma_start3A_23 = arith.constant 0 : i32
    %dma_start3A_24 = arith.constant 0 : i32
    %dma_start3A_25 = tpu.memref_slice %arg3[%dma_start3A_23, %dma_start3A_24] : memref<1000000x128xf32, #tpu.memory_space<hbm>> -> memref<1000000x128xf32, #tpu.memory_space<hbm>>
    tpu.enqueue_indirect_dma source(%dma_start3A_25 : memref<1000000x128xf32, #tpu.memory_space<hbm>>) target(%dma_start3A_15 : memref<128x128xf32, #tpu.memory_space<vmem>>) offsets(%dma_start3A_22 : memref<128xi32, #tpu.memory_space<vmem>>) semaphore(%arg7 : memref<!tpu.dma_semaphore, #tpu.memory_space<semaphore_mem>>)
    %dma_start3A_26 = arith.constant 0 : i32
    %dma_start3A_27 = arith.constant 1 : i32
    %dma_start3A_28 = arith.constant 0 : i32
    %dma_start3A_29 = arith.constant 0 : i32
    %dma_start3A_30 = arith.constant 0 : i32
    %dma_start3A_31 = tpu.memref_slice %arg6[%dma_start3A_28, %dma_start3A_29, %dma_start3A_30] : memref<2x256x128xf32, #tpu.memory_space<vmem>> -> memref<1x256x128xf32, #tpu.memory_space<vmem>>
    %dma_start3A_32 = tpu.memref_squeeze %dma_start3A_31 : memref<1x256x128xf32, #tpu.memory_space<vmem>> -> memref<256x128xf32, #tpu.memory_space<vmem>>
    %dma_start3A_33 = arith.constant 128 : i32
    %dma_start3A_34 = arith.constant 0 : i32
    %dma_start3A_35 = tpu.memref_slice %dma_start3A_32[%dma_start3A_33, %dma_start3A_34] : memref<256x128xf32, #tpu.memory_space<vmem>> -> memref<128x128xf32, #tpu.memory_space<vmem>>
    %dma_start3A_36 = arith.constant 0 : i32
    %dma_start3A_37 = arith.constant 0 : i32
    %dma_start3A_38 = tpu.memref_slice %arg5[%dma_start3A_26, %dma_start3A_36, %dma_start3A_37] : memref<2x2x128xi32, #tpu.memory_space<vmem>> -> memref<1x2x128xi32, #tpu.memory_space<vmem>>
    %dma_start3A_39 = tpu.memref_squeeze %dma_start3A_38 : memref<1x2x128xi32, #tpu.memory_space<vmem>> -> memref<2x128xi32, #tpu.memory_space<vmem>>
    %dma_start3A_40 = arith.constant 0 : i32
    %dma_start3A_41 = tpu.memref_slice %dma_start3A_39[%dma_start3A_27, %dma_start3A_40] : memref<2x128xi32, #tpu.memory_space<vmem>> -> memref<1x128xi32, #tpu.memory_space<vmem>>
    %dma_start3A_42 = tpu.memref_squeeze %dma_start3A_41 : memref<1x128xi32, #tpu.memory_space<vmem>> -> memref<128xi32, #tpu.memory_space<vmem>>
    %dma_start3A_43 = arith.constant 0 : i32
    %dma_start3A_44 = arith.constant 0 : i32
    %dma_start3A_45 = tpu.memref_slice %arg3[%dma_start3A_43, %dma_start3A_44] : memref<1000000x128xf32, #tpu.memory_space<hbm>> -> memref<1000000x128xf32, #tpu.memory_space<hbm>>
    tpu.enqueue_indirect_dma source(%dma_start3A_45 : memref<1000000x128xf32, #tpu.memory_space<hbm>>) target(%dma_start3A_35 : memref<128x128xf32, #tpu.memory_space<vmem>>) offsets(%dma_start3A_42 : memref<128xi32, #tpu.memory_space<vmem>>) semaphore(%arg7 : memref<!tpu.dma_semaphore, #tpu.memory_space<semaphore_mem>>)
    %add3A_46 = arith.constant 2 : i32
    %add3A_47 = arith.addi %mul3A_4, %add3A_46 : i32
    %run_scoped3A_48 = arith.constant 1 : i32
    "tpu.region"() ({
      %run_scoped3A_183 = tpu.sem_alloc : memref<!tpu.dma_semaphore, #tpu.memory_space<semaphore_mem>>
      %dma_start3A_184 = arith.constant 0 : i32
      %dma_start3A_185 = arith.constant 0 : i32
      %dma_start3A_186 = tpu.memref_slice %arg5[%run_scoped3A_48, %dma_start3A_184, %dma_start3A_185] : memref<2x2x128xi32, #tpu.memory_space<vmem>> -> memref<1x2x128xi32, #tpu.memory_space<vmem>>
      %dma_start3A_187 = tpu.memref_squeeze %dma_start3A_186 : memref<1x2x128xi32, #tpu.memory_space<vmem>> -> memref<2x128xi32, #tpu.memory_space<vmem>>
      %dma_start3A_188 = arith.constant 0 : i32
      %dma_start3A_189 = tpu.memref_slice %arg2[%add3A_47, %dma_start3A_188] : memref<6400x128xi32, #tpu.memory_space<hbm>> -> memref<2x128xi32, #tpu.memory_space<hbm>>
      %dma_start3A_190 = arith.constant 0 : i32
      %dma_start3A_191 = arith.constant 0 : i32
      %dma_start3A_192 = tpu.memref_slice %arg5[%run_scoped3A_48, %dma_start3A_190, %dma_start3A_191] : memref<2x2x128xi32, #tpu.memory_space<vmem>> -> memref<1x2x128xi32, #tpu.memory_space<vmem>>
      %dma_start3A_193 = tpu.memref_squeeze %dma_start3A_192 : memref<1x2x128xi32, #tpu.memory_space<vmem>> -> memref<2x128xi32, #tpu.memory_space<vmem>>
      %dma_start3A_194 = arith.constant 0 : i32
      %dma_start3A_195 = tpu.memref_slice %arg2[%add3A_47, %dma_start3A_194] : memref<6400x128xi32, #tpu.memory_space<hbm>> -> memref<2x128xi32, #tpu.memory_space<hbm>>
      tpu.enqueue_dma source(%dma_start3A_195 : memref<2x128xi32, #tpu.memory_space<hbm>>) target(%dma_start3A_193 : memref<2x128xi32, #tpu.memory_space<vmem>>) target_semaphore(%run_scoped3A_183 : memref<!tpu.dma_semaphore, #tpu.memory_space<semaphore_mem>>)
      %dma_wait3A_196 = arith.constant 0 : i32
      %dma_wait3A_197 = arith.constant 0 : i32
      %dma_wait3A_198 = tpu.memref_slice %arg5[%run_scoped3A_48, %dma_wait3A_196, %dma_wait3A_197] : memref<2x2x128xi32, #tpu.memory_space<vmem>> -> memref<1x2x128xi32, #tpu.memory_space<vmem>>
      %dma_wait3A_199 = tpu.memref_squeeze %dma_wait3A_198 : memref<1x2x128xi32, #tpu.memory_space<vmem>> -> memref<2x128xi32, #tpu.memory_space<vmem>>
      %dma_wait3A_200 = arith.constant 0 : i32
      %dma_wait3A_201 = tpu.memref_slice %arg2[%add3A_47, %dma_wait3A_200] : memref<6400x128xi32, #tpu.memory_space<hbm>> -> memref<2x128xi32, #tpu.memory_space<hbm>>
      %dma_wait3A_202 = arith.constant 0 : i32
      %dma_wait3A_203 = arith.constant 0 : i32
      %dma_wait3A_204 = tpu.memref_slice %arg5[%run_scoped3A_48, %dma_wait3A_202, %dma_wait3A_203] : memref<2x2x128xi32, #tpu.memory_space<vmem>> -> memref<1x2x128xi32, #tpu.memory_space<vmem>>
      %dma_wait3A_205 = tpu.memref_squeeze %dma_wait3A_204 : memref<1x2x128xi32, #tpu.memory_space<vmem>> -> memref<2x128xi32, #tpu.memory_space<vmem>>
      %dma_wait3A_206 = arith.constant 0 : i32
      %dma_wait3A_207 = tpu.memref_slice %arg2[%add3A_47, %dma_wait3A_206] : memref<6400x128xi32, #tpu.memory_space<hbm>> -> memref<2x128xi32, #tpu.memory_space<hbm>>
      tpu.wait_dma2 semaphore(%run_scoped3A_183 : memref<!tpu.dma_semaphore, #tpu.memory_space<semaphore_mem>>) src(%dma_wait3A_207 : memref<2x128xi32, #tpu.memory_space<hbm>>) dst(%dma_wait3A_205 : memref<2x128xi32, #tpu.memory_space<vmem>>)
      tpu.yield
    }) : () -> ()
    %dma_start3A_49 = arith.constant 1 : i32
    %dma_start3A_50 = arith.constant 0 : i32
    %dma_start3A_51 = arith.constant 1 : i32
    %dma_start3A_52 = arith.constant 0 : i32
    %dma_start3A_53 = arith.constant 0 : i32
    %dma_start3A_54 = tpu.memref_slice %arg6[%dma_start3A_51, %dma_start3A_52, %dma_start3A_53] : memref<2x256x128xf32, #tpu.memory_space<vmem>> -> memref<1x256x128xf32, #tpu.memory_space<vmem>>
    %dma_start3A_55 = tpu.memref_squeeze %dma_start3A_54 : memref<1x256x128xf32, #tpu.memory_space<vmem>> -> memref<256x128xf32, #tpu.memory_space<vmem>>
    %dma_start3A_56 = arith.constant 0 : i32
    %dma_start3A_57 = arith.constant 0 : i32
    %dma_start3A_58 = tpu.memref_slice %dma_start3A_55[%dma_start3A_56, %dma_start3A_57] : memref<256x128xf32, #tpu.memory_space<vmem>> -> memref<128x128xf32, #tpu.memory_space<vmem>>
    %dma_start3A_59 = arith.constant 0 : i32
    %dma_start3A_60 = arith.constant 0 : i32
    %dma_start3A_61 = tpu.memref_slice %arg5[%dma_start3A_49, %dma_start3A_59, %dma_start3A_60] : memref<2x2x128xi32, #tpu.memory_space<vmem>> -> memref<1x2x128xi32, #tpu.memory_space<vmem>>
    %dma_start3A_62 = tpu.memref_squeeze %dma_start3A_61 : memref<1x2x128xi32, #tpu.memory_space<vmem>> -> memref<2x128xi32, #tpu.memory_space<vmem>>
    %dma_start3A_63 = arith.constant 0 : i32
    %dma_start3A_64 = tpu.memref_slice %dma_start3A_62[%dma_start3A_50, %dma_start3A_63] : memref<2x128xi32, #tpu.memory_space<vmem>> -> memref<1x128xi32, #tpu.memory_space<vmem>>
    %dma_start3A_65 = tpu.memref_squeeze %dma_start3A_64 : memref<1x128xi32, #tpu.memory_space<vmem>> -> memref<128xi32, #tpu.memory_space<vmem>>
    %dma_start3A_66 = arith.constant 0 : i32
    %dma_start3A_67 = arith.constant 0 : i32
    %dma_start3A_68 = tpu.memref_slice %arg3[%dma_start3A_66, %dma_start3A_67] : memref<1000000x128xf32, #tpu.memory_space<hbm>> -> memref<1000000x128xf32, #tpu.memory_space<hbm>>
    tpu.enqueue_indirect_dma source(%dma_start3A_68 : memref<1000000x128xf32, #tpu.memory_space<hbm>>) target(%dma_start3A_58 : memref<128x128xf32, #tpu.memory_space<vmem>>) offsets(%dma_start3A_65 : memref<128xi32, #tpu.memory_space<vmem>>) semaphore(%arg8 : memref<!tpu.dma_semaphore, #tpu.memory_space<semaphore_mem>>)
    %dma_start3A_69 = arith.constant 1 : i32
    %dma_start3A_70 = arith.constant 1 : i32
    %dma_start3A_71 = arith.constant 1 : i32
    %dma_start3A_72 = arith.constant 0 : i32
    %dma_start3A_73 = arith.constant 0 : i32
    %dma_start3A_74 = tpu.memref_slice %arg6[%dma_start3A_71, %dma_start3A_72, %dma_start3A_73] : memref<2x256x128xf32, #tpu.memory_space<vmem>> -> memref<1x256x128xf32, #tpu.memory_space<vmem>>
    %dma_start3A_75 = tpu.memref_squeeze %dma_start3A_74 : memref<1x256x128xf32, #tpu.memory_space<vmem>> -> memref<256x128xf32, #tpu.memory_space<vmem>>
    %dma_start3A_76 = arith.constant 128 : i32
    %dma_start3A_77 = arith.constant 0 : i32
    %dma_start3A_78 = tpu.memref_slice %dma_start3A_75[%dma_start3A_76, %dma_start3A_77] : memref<256x128xf32, #tpu.memory_space<vmem>> -> memref<128x128xf32, #tpu.memory_space<vmem>>
    %dma_start3A_79 = arith.constant 0 : i32
    %dma_start3A_80 = arith.constant 0 : i32
    %dma_start3A_81 = tpu.memref_slice %arg5[%dma_start3A_69, %dma_start3A_79, %dma_start3A_80] : memref<2x2x128xi32, #tpu.memory_space<vmem>> -> memref<1x2x128xi32, #tpu.memory_space<vmem>>
    %dma_start3A_82 = tpu.memref_squeeze %dma_start3A_81 : memref<1x2x128xi32, #tpu.memory_space<vmem>> -> memref<2x128xi32, #tpu.memory_space<vmem>>
    %dma_start3A_83 = arith.constant 0 : i32
    %dma_start3A_84 = tpu.memref_slice %dma_start3A_82[%dma_start3A_70, %dma_start3A_83] : memref<2x128xi32, #tpu.memory_space<vmem>> -> memref<1x128xi32, #tpu.memory_space<vmem>>
    %dma_start3A_85 = tpu.memref_squeeze %dma_start3A_84 : memref<1x128xi32, #tpu.memory_space<vmem>> -> memref<128xi32, #tpu.memory_space<vmem>>
    %dma_start3A_86 = arith.constant 0 : i32
    %dma_start3A_87 = arith.constant 0 : i32
    %dma_start3A_88 = tpu.memref_slice %arg3[%dma_start3A_86, %dma_start3A_87] : memref<1000000x128xf32, #tpu.memory_space<hbm>> -> memref<1000000x128xf32, #tpu.memory_space<hbm>>
    tpu.enqueue_indirect_dma source(%dma_start3A_88 : memref<1000000x128xf32, #tpu.memory_space<hbm>>) target(%dma_start3A_78 : memref<128x128xf32, #tpu.memory_space<vmem>>) offsets(%dma_start3A_85 : memref<128xi32, #tpu.memory_space<vmem>>) semaphore(%arg8 : memref<!tpu.dma_semaphore, #tpu.memory_space<semaphore_mem>>)
    %add3A_89 = arith.constant 0 : i32
    %add3A_90 = arith.addi %mul3A_2, %add3A_89 : i32
    %dma_wait3A = arith.constant 0 : i32
    %dma_wait3A_91 = arith.constant 0 : i32
    %dma_wait3A_92 = arith.constant 0 : i32
    %dma_wait3A_93 = tpu.memref_slice %arg6[%dma_wait3A, %dma_wait3A_91, %dma_wait3A_92] : memref<2x256x128xf32, #tpu.memory_space<vmem>> -> memref<1x256x128xf32, #tpu.memory_space<vmem>>
    %dma_wait3A_94 = tpu.memref_squeeze %dma_wait3A_93 : memref<1x256x128xf32, #tpu.memory_space<vmem>> -> memref<256x128xf32, #tpu.memory_space<vmem>>
    %dma_wait3A_95 = arith.constant 0 : i32
    %dma_wait3A_96 = tpu.memref_slice %arg4[%add3A_90, %dma_wait3A_95] : memref<819200x128xf32, #tpu.memory_space<hbm>> -> memref<256x128xf32, #tpu.memory_space<hbm>>
    %dma_wait3A_97 = arith.constant 0 : i32
    %dma_wait3A_98 = arith.constant 0 : i32
    %dma_wait3A_99 = tpu.memref_slice %arg6[%dma_wait3A, %dma_wait3A_97, %dma_wait3A_98] : memref<2x256x128xf32, #tpu.memory_space<vmem>> -> memref<1x256x128xf32, #tpu.memory_space<vmem>>
    %dma_wait3A_100 = tpu.memref_squeeze %dma_wait3A_99 : memref<1x256x128xf32, #tpu.memory_space<vmem>> -> memref<256x128xf32, #tpu.memory_space<vmem>>
    %dma_wait3A_101 = arith.constant 0 : i32
    %dma_wait3A_102 = tpu.memref_slice %arg4[%add3A_90, %dma_wait3A_101] : memref<819200x128xf32, #tpu.memory_space<hbm>> -> memref<256x128xf32, #tpu.memory_space<hbm>>
    tpu.wait_dma2 semaphore(%arg7 : memref<!tpu.dma_semaphore, #tpu.memory_space<semaphore_mem>>) src(%dma_wait3A_102 : memref<256x128xf32, #tpu.memory_space<hbm>>) dst(%dma_wait3A_100 : memref<256x128xf32, #tpu.memory_space<vmem>>)
    %add3A_103 = arith.constant 0 : i32
    %add3A_104 = arith.addi %mul3A_2, %add3A_103 : i32
    %dma_start3A_105 = arith.constant 0 : i32
    %dma_start3A_106 = arith.constant 0 : i32
    %dma_start3A_107 = arith.constant 0 : i32
    %dma_start3A_108 = tpu.memref_slice %arg6[%dma_start3A_105, %dma_start3A_106, %dma_start3A_107] : memref<2x256x128xf32, #tpu.memory_space<vmem>> -> memref<1x256x128xf32, #tpu.memory_space<vmem>>
    %dma_start3A_109 = tpu.memref_squeeze %dma_start3A_108 : memref<1x256x128xf32, #tpu.memory_space<vmem>> -> memref<256x128xf32, #tpu.memory_space<vmem>>
    %dma_start3A_110 = arith.constant 0 : i32
    %dma_start3A_111 = tpu.memref_slice %arg4[%add3A_104, %dma_start3A_110] : memref<819200x128xf32, #tpu.memory_space<hbm>> -> memref<256x128xf32, #tpu.memory_space<hbm>>
    %dma_start3A_112 = arith.constant 0 : i32
    %dma_start3A_113 = tpu.memref_slice %arg4[%add3A_104, %dma_start3A_112] : memref<819200x128xf32, #tpu.memory_space<hbm>> -> memref<256x128xf32, #tpu.memory_space<hbm>>
    %dma_start3A_114 = arith.constant 0 : i32
    %dma_start3A_115 = arith.constant 0 : i32
    %dma_start3A_116 = tpu.memref_slice %arg6[%dma_start3A_105, %dma_start3A_114, %dma_start3A_115] : memref<2x256x128xf32, #tpu.memory_space<vmem>> -> memref<1x256x128xf32, #tpu.memory_space<vmem>>
    %dma_start3A_117 = tpu.memref_squeeze %dma_start3A_116 : memref<1x256x128xf32, #tpu.memory_space<vmem>> -> memref<256x128xf32, #tpu.memory_space<vmem>>
    tpu.enqueue_dma source(%dma_start3A_117 : memref<256x128xf32, #tpu.memory_space<vmem>>) target(%dma_start3A_113 : memref<256x128xf32, #tpu.memory_space<hbm>>) target_semaphore(%arg9 : memref<!tpu.dma_semaphore, #tpu.memory_space<semaphore_mem>>)
    %scan3A = arith.constant 0 : i32
    %scan3A_118 = arith.constant 1 : i32
    %scan3A_119 = arith.constant 49 : i32
    %scan3A_120 = arith.addi %scan3A_118, %scan3A_119 : i32
    %scan3A_121 = arith.constant 1 : i32
    scf.for %scan3A_183 = %scan3A_118 to %scan3A_120 step %scan3A_121  : i32 {
      %mul3A_184 = arith.constant 2 : i32
      %mul3A_185 = arith.muli %mul3A_184, %scan3A_183 : i32
      %add3A_186 = arith.constant 1 : i32
      %add3A_187 = arith.addi %mul3A_185, %add3A_186 : i32
      %sub3A = arith.constant 2 : i32
      %sub3A_188 = arith.subi %mul3A_185, %sub3A : i32
      %mul3A_189 = arith.constant 256 : i32
      %mul3A_190 = arith.muli %sub3A_188, %mul3A_189 : i32
      %add3A_191 = arith.addi %mul3A_2, %mul3A_190 : i32
      %dma_wait3A_192 = arith.constant 0 : i32
      %dma_wait3A_193 = arith.constant 0 : i32
      %dma_wait3A_194 = arith.constant 0 : i32
      %dma_wait3A_195 = tpu.memref_slice %arg6[%dma_wait3A_192, %dma_wait3A_193, %dma_wait3A_194] : memref<2x256x128xf32, #tpu.memory_space<vmem>> -> memref<1x256x128xf32, #tpu.memory_space<vmem>>
      %dma_wait3A_196 = tpu.memref_squeeze %dma_wait3A_195 : memref<1x256x128xf32, #tpu.memory_space<vmem>> -> memref<256x128xf32, #tpu.memory_space<vmem>>
      %dma_wait3A_197 = arith.constant 0 : i32
      %dma_wait3A_198 = tpu.memref_slice %arg4[%add3A_191, %dma_wait3A_197] : memref<819200x128xf32, #tpu.memory_space<hbm>> -> memref<256x128xf32, #tpu.memory_space<hbm>>
      %dma_wait3A_199 = arith.constant 0 : i32
      %dma_wait3A_200 = tpu.memref_slice %arg4[%add3A_191, %dma_wait3A_199] : memref<819200x128xf32, #tpu.memory_space<hbm>> -> memref<256x128xf32, #tpu.memory_space<hbm>>
      %dma_wait3A_201 = arith.constant 0 : i32
      %dma_wait3A_202 = arith.constant 0 : i32
      %dma_wait3A_203 = tpu.memref_slice %arg6[%dma_wait3A_192, %dma_wait3A_201, %dma_wait3A_202] : memref<2x256x128xf32, #tpu.memory_space<vmem>> -> memref<1x256x128xf32, #tpu.memory_space<vmem>>
      %dma_wait3A_204 = tpu.memref_squeeze %dma_wait3A_203 : memref<1x256x128xf32, #tpu.memory_space<vmem>> -> memref<256x128xf32, #tpu.memory_space<vmem>>
      tpu.wait_dma2 semaphore(%arg9 : memref<!tpu.dma_semaphore, #tpu.memory_space<semaphore_mem>>) src(%dma_wait3A_204 : memref<256x128xf32, #tpu.memory_space<vmem>>) dst(%dma_wait3A_200 : memref<256x128xf32, #tpu.memory_space<hbm>>)
      %mul3A_205 = arith.constant 2 : i32
      %mul3A_206 = arith.muli %mul3A_185, %mul3A_205 : i32
      %add3A_207 = arith.addi %mul3A_4, %mul3A_206 : i32
      %run_scoped3A_208 = arith.constant 0 : i32
      "tpu.region"() ({
        %run_scoped3A_377 = tpu.sem_alloc : memref<!tpu.dma_semaphore, #tpu.memory_space<semaphore_mem>>
        %dma_start3A_378 = arith.constant 0 : i32
        %dma_start3A_379 = arith.constant 0 : i32
        %dma_start3A_380 = tpu.memref_slice %arg5[%run_scoped3A_208, %dma_start3A_378, %dma_start3A_379] : memref<2x2x128xi32, #tpu.memory_space<vmem>> -> memref<1x2x128xi32, #tpu.memory_space<vmem>>
        %dma_start3A_381 = tpu.memref_squeeze %dma_start3A_380 : memref<1x2x128xi32, #tpu.memory_space<vmem>> -> memref<2x128xi32, #tpu.memory_space<vmem>>
        %dma_start3A_382 = arith.constant 0 : i32
        %dma_start3A_383 = tpu.memref_slice %arg2[%add3A_207, %dma_start3A_382] : memref<6400x128xi32, #tpu.memory_space<hbm>> -> memref<2x128xi32, #tpu.memory_space<hbm>>
        %dma_start3A_384 = arith.constant 0 : i32
        %dma_start3A_385 = arith.constant 0 : i32
        %dma_start3A_386 = tpu.memref_slice %arg5[%run_scoped3A_208, %dma_start3A_384, %dma_start3A_385] : memref<2x2x128xi32, #tpu.memory_space<vmem>> -> memref<1x2x128xi32, #tpu.memory_space<vmem>>
        %dma_start3A_387 = tpu.memref_squeeze %dma_start3A_386 : memref<1x2x128xi32, #tpu.memory_space<vmem>> -> memref<2x128xi32, #tpu.memory_space<vmem>>
        %dma_start3A_388 = arith.constant 0 : i32
        %dma_start3A_389 = tpu.memref_slice %arg2[%add3A_207, %dma_start3A_388] : memref<6400x128xi32, #tpu.memory_space<hbm>> -> memref<2x128xi32, #tpu.memory_space<hbm>>
        tpu.enqueue_dma source(%dma_start3A_389 : memref<2x128xi32, #tpu.memory_space<hbm>>) target(%dma_start3A_387 : memref<2x128xi32, #tpu.memory_space<vmem>>) target_semaphore(%run_scoped3A_377 : memref<!tpu.dma_semaphore, #tpu.memory_space<semaphore_mem>>)
        %dma_wait3A_390 = arith.constant 0 : i32
        %dma_wait3A_391 = arith.constant 0 : i32
        %dma_wait3A_392 = tpu.memref_slice %arg5[%run_scoped3A_208, %dma_wait3A_390, %dma_wait3A_391] : memref<2x2x128xi32, #tpu.memory_space<vmem>> -> memref<1x2x128xi32, #tpu.memory_space<vmem>>
        %dma_wait3A_393 = tpu.memref_squeeze %dma_wait3A_392 : memref<1x2x128xi32, #tpu.memory_space<vmem>> -> memref<2x128xi32, #tpu.memory_space<vmem>>
        %dma_wait3A_394 = arith.constant 0 : i32
        %dma_wait3A_395 = tpu.memref_slice %arg2[%add3A_207, %dma_wait3A_394] : memref<6400x128xi32, #tpu.memory_space<hbm>> -> memref<2x128xi32, #tpu.memory_space<hbm>>
        %dma_wait3A_396 = arith.constant 0 : i32
        %dma_wait3A_397 = arith.constant 0 : i32
        %dma_wait3A_398 = tpu.memref_slice %arg5[%run_scoped3A_208, %dma_wait3A_396, %dma_wait3A_397] : memref<2x2x128xi32, #tpu.memory_space<vmem>> -> memref<1x2x128xi32, #tpu.memory_space<vmem>>
        %dma_wait3A_399 = tpu.memref_squeeze %dma_wait3A_398 : memref<1x2x128xi32, #tpu.memory_space<vmem>> -> memref<2x128xi32, #tpu.memory_space<vmem>>
        %dma_wait3A_400 = arith.constant 0 : i32
        %dma_wait3A_401 = tpu.memref_slice %arg2[%add3A_207, %dma_wait3A_400] : memref<6400x128xi32, #tpu.memory_space<hbm>> -> memref<2x128xi32, #tpu.memory_space<hbm>>
        tpu.wait_dma2 semaphore(%run_scoped3A_377 : memref<!tpu.dma_semaphore, #tpu.memory_space<semaphore_mem>>) src(%dma_wait3A_401 : memref<2x128xi32, #tpu.memory_space<hbm>>) dst(%dma_wait3A_399 : memref<2x128xi32, #tpu.memory_space<vmem>>)
        tpu.yield
      }) : () -> ()
      %dma_start3A_209 = arith.constant 0 : i32
      %dma_start3A_210 = arith.constant 0 : i32
      %dma_start3A_211 = arith.constant 0 : i32
      %dma_start3A_212 = arith.constant 0 : i32
      %dma_start3A_213 = arith.constant 0 : i32
      %dma_start3A_214 = tpu.memref_slice %arg6[%dma_start3A_211, %dma_start3A_212, %dma_start3A_213] : memref<2x256x128xf32, #tpu.memory_space<vmem>> -> memref<1x256x128xf32, #tpu.memory_space<vmem>>
      %dma_start3A_215 = tpu.memref_squeeze %dma_start3A_214 : memref<1x256x128xf32, #tpu.memory_space<vmem>> -> memref<256x128xf32, #tpu.memory_space<vmem>>
      %dma_start3A_216 = arith.constant 0 : i32
      %dma_start3A_217 = arith.constant 0 : i32
      %dma_start3A_218 = tpu.memref_slice %dma_start3A_215[%dma_start3A_216, %dma_start3A_217] : memref<256x128xf32, #tpu.memory_space<vmem>> -> memref<128x128xf32, #tpu.memory_space<vmem>>
      %dma_start3A_219 = arith.constant 0 : i32
      %dma_start3A_220 = arith.constant 0 : i32
      %dma_start3A_221 = tpu.memref_slice %arg5[%dma_start3A_209, %dma_start3A_219, %dma_start3A_220] : memref<2x2x128xi32, #tpu.memory_space<vmem>> -> memref<1x2x128xi32, #tpu.memory_space<vmem>>
      %dma_start3A_222 = tpu.memref_squeeze %dma_start3A_221 : memref<1x2x128xi32, #tpu.memory_space<vmem>> -> memref<2x128xi32, #tpu.memory_space<vmem>>
      %dma_start3A_223 = arith.constant 0 : i32
      %dma_start3A_224 = tpu.memref_slice %dma_start3A_222[%dma_start3A_210, %dma_start3A_223] : memref<2x128xi32, #tpu.memory_space<vmem>> -> memref<1x128xi32, #tpu.memory_space<vmem>>
      %dma_start3A_225 = tpu.memref_squeeze %dma_start3A_224 : memref<1x128xi32, #tpu.memory_space<vmem>> -> memref<128xi32, #tpu.memory_space<vmem>>
      %dma_start3A_226 = arith.constant 0 : i32
      %dma_start3A_227 = arith.constant 0 : i32
      %dma_start3A_228 = tpu.memref_slice %arg3[%dma_start3A_226, %dma_start3A_227] : memref<1000000x128xf32, #tpu.memory_space<hbm>> -> memref<1000000x128xf32, #tpu.memory_space<hbm>>
      tpu.enqueue_indirect_dma source(%dma_start3A_228 : memref<1000000x128xf32, #tpu.memory_space<hbm>>) target(%dma_start3A_218 : memref<128x128xf32, #tpu.memory_space<vmem>>) offsets(%dma_start3A_225 : memref<128xi32, #tpu.memory_space<vmem>>) semaphore(%arg7 : memref<!tpu.dma_semaphore, #tpu.memory_space<semaphore_mem>>)
      %dma_start3A_229 = arith.constant 0 : i32
      %dma_start3A_230 = arith.constant 1 : i32
      %dma_start3A_231 = arith.constant 0 : i32
      %dma_start3A_232 = arith.constant 0 : i32
      %dma_start3A_233 = arith.constant 0 : i32
      %dma_start3A_234 = tpu.memref_slice %arg6[%dma_start3A_231, %dma_start3A_232, %dma_start3A_233] : memref<2x256x128xf32, #tpu.memory_space<vmem>> -> memref<1x256x128xf32, #tpu.memory_space<vmem>>
      %dma_start3A_235 = tpu.memref_squeeze %dma_start3A_234 : memref<1x256x128xf32, #tpu.memory_space<vmem>> -> memref<256x128xf32, #tpu.memory_space<vmem>>
      %dma_start3A_236 = arith.constant 128 : i32
      %dma_start3A_237 = arith.constant 0 : i32
      %dma_start3A_238 = tpu.memref_slice %dma_start3A_235[%dma_start3A_236, %dma_start3A_237] : memref<256x128xf32, #tpu.memory_space<vmem>> -> memref<128x128xf32, #tpu.memory_space<vmem>>
      %dma_start3A_239 = arith.constant 0 : i32
      %dma_start3A_240 = arith.constant 0 : i32
      %dma_start3A_241 = tpu.memref_slice %arg5[%dma_start3A_229, %dma_start3A_239, %dma_start3A_240] : memref<2x2x128xi32, #tpu.memory_space<vmem>> -> memref<1x2x128xi32, #tpu.memory_space<vmem>>
      %dma_start3A_242 = tpu.memref_squeeze %dma_start3A_241 : memref<1x2x128xi32, #tpu.memory_space<vmem>> -> memref<2x128xi32, #tpu.memory_space<vmem>>
      %dma_start3A_243 = arith.constant 0 : i32
      %dma_start3A_244 = tpu.memref_slice %dma_start3A_242[%dma_start3A_230, %dma_start3A_243] : memref<2x128xi32, #tpu.memory_space<vmem>> -> memref<1x128xi32, #tpu.memory_space<vmem>>
      %dma_start3A_245 = tpu.memref_squeeze %dma_start3A_244 : memref<1x128xi32, #tpu.memory_space<vmem>> -> memref<128xi32, #tpu.memory_space<vmem>>
      %dma_start3A_246 = arith.constant 0 : i32
      %dma_start3A_247 = arith.constant 0 : i32
      %dma_start3A_248 = tpu.memref_slice %arg3[%dma_start3A_246, %dma_start3A_247] : memref<1000000x128xf32, #tpu.memory_space<hbm>> -> memref<1000000x128xf32, #tpu.memory_space<hbm>>
      tpu.enqueue_indirect_dma source(%dma_start3A_248 : memref<1000000x128xf32, #tpu.memory_space<hbm>>) target(%dma_start3A_238 : memref<128x128xf32, #tpu.memory_space<vmem>>) offsets(%dma_start3A_245 : memref<128xi32, #tpu.memory_space<vmem>>) semaphore(%arg7 : memref<!tpu.dma_semaphore, #tpu.memory_space<semaphore_mem>>)
      %sub3A_249 = arith.constant 1 : i32
      %sub3A_250 = arith.subi %mul3A_185, %sub3A_249 : i32
      %mul3A_251 = arith.constant 256 : i32
      %mul3A_252 = arith.muli %sub3A_250, %mul3A_251 : i32
      %add3A_253 = arith.addi %mul3A_2, %mul3A_252 : i32
      %dma_wait3A_254 = arith.constant 1 : i32
      %dma_wait3A_255 = arith.constant 0 : i32
      %dma_wait3A_256 = arith.constant 0 : i32
      %dma_wait3A_257 = tpu.memref_slice %arg6[%dma_wait3A_254, %dma_wait3A_255, %dma_wait3A_256] : memref<2x256x128xf32, #tpu.memory_space<vmem>> -> memref<1x256x128xf32, #tpu.memory_space<vmem>>
      %dma_wait3A_258 = tpu.memref_squeeze %dma_wait3A_257 : memref<1x256x128xf32, #tpu.memory_space<vmem>> -> memref<256x128xf32, #tpu.memory_space<vmem>>
      %dma_wait3A_259 = arith.constant 0 : i32
      %dma_wait3A_260 = tpu.memref_slice %arg4[%add3A_253, %dma_wait3A_259] : memref<819200x128xf32, #tpu.memory_space<hbm>> -> memref<256x128xf32, #tpu.memory_space<hbm>>
      %dma_wait3A_261 = arith.constant 0 : i32
      %dma_wait3A_262 = arith.constant 0 : i32
      %dma_wait3A_263 = tpu.memref_slice %arg6[%dma_wait3A_254, %dma_wait3A_261, %dma_wait3A_262] : memref<2x256x128xf32, #tpu.memory_space<vmem>> -> memref<1x256x128xf32, #tpu.memory_space<vmem>>
      %dma_wait3A_264 = tpu.memref_squeeze %dma_wait3A_263 : memref<1x256x128xf32, #tpu.memory_space<vmem>> -> memref<256x128xf32, #tpu.memory_space<vmem>>
      %dma_wait3A_265 = arith.constant 0 : i32
      %dma_wait3A_266 = tpu.memref_slice %arg4[%add3A_253, %dma_wait3A_265] : memref<819200x128xf32, #tpu.memory_space<hbm>> -> memref<256x128xf32, #tpu.memory_space<hbm>>
      tpu.wait_dma2 semaphore(%arg8 : memref<!tpu.dma_semaphore, #tpu.memory_space<semaphore_mem>>) src(%dma_wait3A_266 : memref<256x128xf32, #tpu.memory_space<hbm>>) dst(%dma_wait3A_264 : memref<256x128xf32, #tpu.memory_space<vmem>>)
      %mul3A_267 = arith.constant 256 : i32
      %mul3A_268 = arith.muli %sub3A_250, %mul3A_267 : i32
      %add3A_269 = arith.addi %mul3A_2, %mul3A_268 : i32
      %dma_start3A_270 = arith.constant 1 : i32
      %dma_start3A_271 = arith.constant 0 : i32
      %dma_start3A_272 = arith.constant 0 : i32
      %dma_start3A_273 = tpu.memref_slice %arg6[%dma_start3A_270, %dma_start3A_271, %dma_start3A_272] : memref<2x256x128xf32, #tpu.memory_space<vmem>> -> memref<1x256x128xf32, #tpu.memory_space<vmem>>
      %dma_start3A_274 = tpu.memref_squeeze %dma_start3A_273 : memref<1x256x128xf32, #tpu.memory_space<vmem>> -> memref<256x128xf32, #tpu.memory_space<vmem>>
      %dma_start3A_275 = arith.constant 0 : i32
      %dma_start3A_276 = tpu.memref_slice %arg4[%add3A_269, %dma_start3A_275] : memref<819200x128xf32, #tpu.memory_space<hbm>> -> memref<256x128xf32, #tpu.memory_space<hbm>>
      %dma_start3A_277 = arith.constant 0 : i32
      %dma_start3A_278 = tpu.memref_slice %arg4[%add3A_269, %dma_start3A_277] : memref<819200x128xf32, #tpu.memory_space<hbm>> -> memref<256x128xf32, #tpu.memory_space<hbm>>
      %dma_start3A_279 = arith.constant 0 : i32
      %dma_start3A_280 = arith.constant 0 : i32
      %dma_start3A_281 = tpu.memref_slice %arg6[%dma_start3A_270, %dma_start3A_279, %dma_start3A_280] : memref<2x256x128xf32, #tpu.memory_space<vmem>> -> memref<1x256x128xf32, #tpu.memory_space<vmem>>
      %dma_start3A_282 = tpu.memref_squeeze %dma_start3A_281 : memref<1x256x128xf32, #tpu.memory_space<vmem>> -> memref<256x128xf32, #tpu.memory_space<vmem>>
      tpu.enqueue_dma source(%dma_start3A_282 : memref<256x128xf32, #tpu.memory_space<vmem>>) target(%dma_start3A_278 : memref<256x128xf32, #tpu.memory_space<hbm>>) target_semaphore(%arg10 : memref<!tpu.dma_semaphore, #tpu.memory_space<semaphore_mem>>)
      %sub3A_283 = arith.constant 2 : i32
      %sub3A_284 = arith.subi %add3A_187, %sub3A_283 : i32
      %mul3A_285 = arith.constant 256 : i32
      %mul3A_286 = arith.muli %sub3A_284, %mul3A_285 : i32
      %add3A_287 = arith.addi %mul3A_2, %mul3A_286 : i32
      %dma_wait3A_288 = arith.constant 1 : i32
      %dma_wait3A_289 = arith.constant 0 : i32
      %dma_wait3A_290 = arith.constant 0 : i32
      %dma_wait3A_291 = tpu.memref_slice %arg6[%dma_wait3A_288, %dma_wait3A_289, %dma_wait3A_290] : memref<2x256x128xf32, #tpu.memory_space<vmem>> -> memref<1x256x128xf32, #tpu.memory_space<vmem>>
      %dma_wait3A_292 = tpu.memref_squeeze %dma_wait3A_291 : memref<1x256x128xf32, #tpu.memory_space<vmem>> -> memref<256x128xf32, #tpu.memory_space<vmem>>
      %dma_wait3A_293 = arith.constant 0 : i32
      %dma_wait3A_294 = tpu.memref_slice %arg4[%add3A_287, %dma_wait3A_293] : memref<819200x128xf32, #tpu.memory_space<hbm>> -> memref<256x128xf32, #tpu.memory_space<hbm>>
      %dma_wait3A_295 = arith.constant 0 : i32
      %dma_wait3A_296 = tpu.memref_slice %arg4[%add3A_287, %dma_wait3A_295] : memref<819200x128xf32, #tpu.memory_space<hbm>> -> memref<256x128xf32, #tpu.memory_space<hbm>>
      %dma_wait3A_297 = arith.constant 0 : i32
      %dma_wait3A_298 = arith.constant 0 : i32
      %dma_wait3A_299 = tpu.memref_slice %arg6[%dma_wait3A_288, %dma_wait3A_297, %dma_wait3A_298] : memref<2x256x128xf32, #tpu.memory_space<vmem>> -> memref<1x256x128xf32, #tpu.memory_space<vmem>>
      %dma_wait3A_300 = tpu.memref_squeeze %dma_wait3A_299 : memref<1x256x128xf32, #tpu.memory_space<vmem>> -> memref<256x128xf32, #tpu.memory_space<vmem>>
      tpu.wait_dma2 semaphore(%arg10 : memref<!tpu.dma_semaphore, #tpu.memory_space<semaphore_mem>>) src(%dma_wait3A_300 : memref<256x128xf32, #tpu.memory_space<vmem>>) dst(%dma_wait3A_296 : memref<256x128xf32, #tpu.memory_space<hbm>>)
      %mul3A_301 = arith.constant 2 : i32
      %mul3A_302 = arith.muli %add3A_187, %mul3A_301 : i32
      %add3A_303 = arith.addi %mul3A_4, %mul3A_302 : i32
      %run_scoped3A_304 = arith.constant 1 : i32
      "tpu.region"() ({
        %run_scoped3A_377 = tpu.sem_alloc : memref<!tpu.dma_semaphore, #tpu.memory_space<semaphore_mem>>
        %dma_start3A_378 = arith.constant 0 : i32
        %dma_start3A_379 = arith.constant 0 : i32
        %dma_start3A_380 = tpu.memref_slice %arg5[%run_scoped3A_304, %dma_start3A_378, %dma_start3A_379] : memref<2x2x128xi32, #tpu.memory_space<vmem>> -> memref<1x2x128xi32, #tpu.memory_space<vmem>>
        %dma_start3A_381 = tpu.memref_squeeze %dma_start3A_380 : memref<1x2x128xi32, #tpu.memory_space<vmem>> -> memref<2x128xi32, #tpu.memory_space<vmem>>
        %dma_start3A_382 = arith.constant 0 : i32
        %dma_start3A_383 = tpu.memref_slice %arg2[%add3A_303, %dma_start3A_382] : memref<6400x128xi32, #tpu.memory_space<hbm>> -> memref<2x128xi32, #tpu.memory_space<hbm>>
        %dma_start3A_384 = arith.constant 0 : i32
        %dma_start3A_385 = arith.constant 0 : i32
        %dma_start3A_386 = tpu.memref_slice %arg5[%run_scoped3A_304, %dma_start3A_384, %dma_start3A_385] : memref<2x2x128xi32, #tpu.memory_space<vmem>> -> memref<1x2x128xi32, #tpu.memory_space<vmem>>
        %dma_start3A_387 = tpu.memref_squeeze %dma_start3A_386 : memref<1x2x128xi32, #tpu.memory_space<vmem>> -> memref<2x128xi32, #tpu.memory_space<vmem>>
        %dma_start3A_388 = arith.constant 0 : i32
        %dma_start3A_389 = tpu.memref_slice %arg2[%add3A_303, %dma_start3A_388] : memref<6400x128xi32, #tpu.memory_space<hbm>> -> memref<2x128xi32, #tpu.memory_space<hbm>>
        tpu.enqueue_dma source(%dma_start3A_389 : memref<2x128xi32, #tpu.memory_space<hbm>>) target(%dma_start3A_387 : memref<2x128xi32, #tpu.memory_space<vmem>>) target_semaphore(%run_scoped3A_377 : memref<!tpu.dma_semaphore, #tpu.memory_space<semaphore_mem>>)
        %dma_wait3A_390 = arith.constant 0 : i32
        %dma_wait3A_391 = arith.constant 0 : i32
        %dma_wait3A_392 = tpu.memref_slice %arg5[%run_scoped3A_304, %dma_wait3A_390, %dma_wait3A_391] : memref<2x2x128xi32, #tpu.memory_space<vmem>> -> memref<1x2x128xi32, #tpu.memory_space<vmem>>
        %dma_wait3A_393 = tpu.memref_squeeze %dma_wait3A_392 : memref<1x2x128xi32, #tpu.memory_space<vmem>> -> memref<2x128xi32, #tpu.memory_space<vmem>>
        %dma_wait3A_394 = arith.constant 0 : i32
        %dma_wait3A_395 = tpu.memref_slice %arg2[%add3A_303, %dma_wait3A_394] : memref<6400x128xi32, #tpu.memory_space<hbm>> -> memref<2x128xi32, #tpu.memory_space<hbm>>
        %dma_wait3A_396 = arith.constant 0 : i32
        %dma_wait3A_397 = arith.constant 0 : i32
        %dma_wait3A_398 = tpu.memref_slice %arg5[%run_scoped3A_304, %dma_wait3A_396, %dma_wait3A_397] : memref<2x2x128xi32, #tpu.memory_space<vmem>> -> memref<1x2x128xi32, #tpu.memory_space<vmem>>
        %dma_wait3A_399 = tpu.memref_squeeze %dma_wait3A_398 : memref<1x2x128xi32, #tpu.memory_space<vmem>> -> memref<2x128xi32, #tpu.memory_space<vmem>>
        %dma_wait3A_400 = arith.constant 0 : i32
        %dma_wait3A_401 = tpu.memref_slice %arg2[%add3A_303, %dma_wait3A_400] : memref<6400x128xi32, #tpu.memory_space<hbm>> -> memref<2x128xi32, #tpu.memory_space<hbm>>
        tpu.wait_dma2 semaphore(%run_scoped3A_377 : memref<!tpu.dma_semaphore, #tpu.memory_space<semaphore_mem>>) src(%dma_wait3A_401 : memref<2x128xi32, #tpu.memory_space<hbm>>) dst(%dma_wait3A_399 : memref<2x128xi32, #tpu.memory_space<vmem>>)
        tpu.yield
      }) : () -> ()
      %dma_start3A_305 = arith.constant 1 : i32
      %dma_start3A_306 = arith.constant 0 : i32
      %dma_start3A_307 = arith.constant 1 : i32
      %dma_start3A_308 = arith.constant 0 : i32
      %dma_start3A_309 = arith.constant 0 : i32
      %dma_start3A_310 = tpu.memref_slice %arg6[%dma_start3A_307, %dma_start3A_308, %dma_start3A_309] : memref<2x256x128xf32, #tpu.memory_space<vmem>> -> memref<1x256x128xf32, #tpu.memory_space<vmem>>
      %dma_start3A_311 = tpu.memref_squeeze %dma_start3A_310 : memref<1x256x128xf32, #tpu.memory_space<vmem>> -> memref<256x128xf32, #tpu.memory_space<vmem>>
      %dma_start3A_312 = arith.constant 0 : i32
      %dma_start3A_313 = arith.constant 0 : i32
      %dma_start3A_314 = tpu.memref_slice %dma_start3A_311[%dma_start3A_312, %dma_start3A_313] : memref<256x128xf32, #tpu.memory_space<vmem>> -> memref<128x128xf32, #tpu.memory_space<vmem>>
      %dma_start3A_315 = arith.constant 0 : i32
      %dma_start3A_316 = arith.constant 0 : i32
      %dma_start3A_317 = tpu.memref_slice %arg5[%dma_start3A_305, %dma_start3A_315, %dma_start3A_316] : memref<2x2x128xi32, #tpu.memory_space<vmem>> -> memref<1x2x128xi32, #tpu.memory_space<vmem>>
      %dma_start3A_318 = tpu.memref_squeeze %dma_start3A_317 : memref<1x2x128xi32, #tpu.memory_space<vmem>> -> memref<2x128xi32, #tpu.memory_space<vmem>>
      %dma_start3A_319 = arith.constant 0 : i32
      %dma_start3A_320 = tpu.memref_slice %dma_start3A_318[%dma_start3A_306, %dma_start3A_319] : memref<2x128xi32, #tpu.memory_space<vmem>> -> memref<1x128xi32, #tpu.memory_space<vmem>>
      %dma_start3A_321 = tpu.memref_squeeze %dma_start3A_320 : memref<1x128xi32, #tpu.memory_space<vmem>> -> memref<128xi32, #tpu.memory_space<vmem>>
      %dma_start3A_322 = arith.constant 0 : i32
      %dma_start3A_323 = arith.constant 0 : i32
      %dma_start3A_324 = tpu.memref_slice %arg3[%dma_start3A_322, %dma_start3A_323] : memref<1000000x128xf32, #tpu.memory_space<hbm>> -> memref<1000000x128xf32, #tpu.memory_space<hbm>>
      tpu.enqueue_indirect_dma source(%dma_start3A_324 : memref<1000000x128xf32, #tpu.memory_space<hbm>>) target(%dma_start3A_314 : memref<128x128xf32, #tpu.memory_space<vmem>>) offsets(%dma_start3A_321 : memref<128xi32, #tpu.memory_space<vmem>>) semaphore(%arg8 : memref<!tpu.dma_semaphore, #tpu.memory_space<semaphore_mem>>)
      %dma_start3A_325 = arith.constant 1 : i32
      %dma_start3A_326 = arith.constant 1 : i32
      %dma_start3A_327 = arith.constant 1 : i32
      %dma_start3A_328 = arith.constant 0 : i32
      %dma_start3A_329 = arith.constant 0 : i32
      %dma_start3A_330 = tpu.memref_slice %arg6[%dma_start3A_327, %dma_start3A_328, %dma_start3A_329] : memref<2x256x128xf32, #tpu.memory_space<vmem>> -> memref<1x256x128xf32, #tpu.memory_space<vmem>>
      %dma_start3A_331 = tpu.memref_squeeze %dma_start3A_330 : memref<1x256x128xf32, #tpu.memory_space<vmem>> -> memref<256x128xf32, #tpu.memory_space<vmem>>
      %dma_start3A_332 = arith.constant 128 : i32
      %dma_start3A_333 = arith.constant 0 : i32
      %dma_start3A_334 = tpu.memref_slice %dma_start3A_331[%dma_start3A_332, %dma_start3A_333] : memref<256x128xf32, #tpu.memory_space<vmem>> -> memref<128x128xf32, #tpu.memory_space<vmem>>
      %dma_start3A_335 = arith.constant 0 : i32
      %dma_start3A_336 = arith.constant 0 : i32
      %dma_start3A_337 = tpu.memref_slice %arg5[%dma_start3A_325, %dma_start3A_335, %dma_start3A_336] : memref<2x2x128xi32, #tpu.memory_space<vmem>> -> memref<1x2x128xi32, #tpu.memory_space<vmem>>
      %dma_start3A_338 = tpu.memref_squeeze %dma_start3A_337 : memref<1x2x128xi32, #tpu.memory_space<vmem>> -> memref<2x128xi32, #tpu.memory_space<vmem>>
      %dma_start3A_339 = arith.constant 0 : i32
      %dma_start3A_340 = tpu.memref_slice %dma_start3A_338[%dma_start3A_326, %dma_start3A_339] : memref<2x128xi32, #tpu.memory_space<vmem>> -> memref<1x128xi32, #tpu.memory_space<vmem>>
      %dma_start3A_341 = tpu.memref_squeeze %dma_start3A_340 : memref<1x128xi32, #tpu.memory_space<vmem>> -> memref<128xi32, #tpu.memory_space<vmem>>
      %dma_start3A_342 = arith.constant 0 : i32
      %dma_start3A_343 = arith.constant 0 : i32
      %dma_start3A_344 = tpu.memref_slice %arg3[%dma_start3A_342, %dma_start3A_343] : memref<1000000x128xf32, #tpu.memory_space<hbm>> -> memref<1000000x128xf32, #tpu.memory_space<hbm>>
      tpu.enqueue_indirect_dma source(%dma_start3A_344 : memref<1000000x128xf32, #tpu.memory_space<hbm>>) target(%dma_start3A_334 : memref<128x128xf32, #tpu.memory_space<vmem>>) offsets(%dma_start3A_341 : memref<128xi32, #tpu.memory_space<vmem>>) semaphore(%arg8 : memref<!tpu.dma_semaphore, #tpu.memory_space<semaphore_mem>>)
      %mul3A_345 = arith.constant 256 : i32
      %mul3A_346 = arith.muli %mul3A_185, %mul3A_345 : i32
      %add3A_347 = arith.addi %mul3A_2, %mul3A_346 : i32
      %dma_wait3A_348 = arith.constant 0 : i32
      %dma_wait3A_349 = arith.constant 0 : i32
      %dma_wait3A_350 = arith.constant 0 : i32
      %dma_wait3A_351 = tpu.memref_slice %arg6[%dma_wait3A_348, %dma_wait3A_349, %dma_wait3A_350] : memref<2x256x128xf32, #tpu.memory_space<vmem>> -> memref<1x256x128xf32, #tpu.memory_space<vmem>>
      %dma_wait3A_352 = tpu.memref_squeeze %dma_wait3A_351 : memref<1x256x128xf32, #tpu.memory_space<vmem>> -> memref<256x128xf32, #tpu.memory_space<vmem>>
      %dma_wait3A_353 = arith.constant 0 : i32
      %dma_wait3A_354 = tpu.memref_slice %arg4[%add3A_347, %dma_wait3A_353] : memref<819200x128xf32, #tpu.memory_space<hbm>> -> memref<256x128xf32, #tpu.memory_space<hbm>>
      %dma_wait3A_355 = arith.constant 0 : i32
      %dma_wait3A_356 = arith.constant 0 : i32
      %dma_wait3A_357 = tpu.memref_slice %arg6[%dma_wait3A_348, %dma_wait3A_355, %dma_wait3A_356] : memref<2x256x128xf32, #tpu.memory_space<vmem>> -> memref<1x256x128xf32, #tpu.memory_space<vmem>>
      %dma_wait3A_358 = tpu.memref_squeeze %dma_wait3A_357 : memref<1x256x128xf32, #tpu.memory_space<vmem>> -> memref<256x128xf32, #tpu.memory_space<vmem>>
      %dma_wait3A_359 = arith.constant 0 : i32
      %dma_wait3A_360 = tpu.memref_slice %arg4[%add3A_347, %dma_wait3A_359] : memref<819200x128xf32, #tpu.memory_space<hbm>> -> memref<256x128xf32, #tpu.memory_space<hbm>>
      tpu.wait_dma2 semaphore(%arg7 : memref<!tpu.dma_semaphore, #tpu.memory_space<semaphore_mem>>) src(%dma_wait3A_360 : memref<256x128xf32, #tpu.memory_space<hbm>>) dst(%dma_wait3A_358 : memref<256x128xf32, #tpu.memory_space<vmem>>)
      %mul3A_361 = arith.constant 256 : i32
      %mul3A_362 = arith.muli %mul3A_185, %mul3A_361 : i32
      %add3A_363 = arith.addi %mul3A_2, %mul3A_362 : i32
      %dma_start3A_364 = arith.constant 0 : i32
      %dma_start3A_365 = arith.constant 0 : i32
      %dma_start3A_366 = arith.constant 0 : i32
      %dma_start3A_367 = tpu.memref_slice %arg6[%dma_start3A_364, %dma_start3A_365, %dma_start3A_366] : memref<2x256x128xf32, #tpu.memory_space<vmem>> -> memref<1x256x128xf32, #tpu.memory_space<vmem>>
      %dma_start3A_368 = tpu.memref_squeeze %dma_start3A_367 : memref<1x256x128xf32, #tpu.memory_space<vmem>> -> memref<256x128xf32, #tpu.memory_space<vmem>>
      %dma_start3A_369 = arith.constant 0 : i32
      %dma_start3A_370 = tpu.memref_slice %arg4[%add3A_363, %dma_start3A_369] : memref<819200x128xf32, #tpu.memory_space<hbm>> -> memref<256x128xf32, #tpu.memory_space<hbm>>
      %dma_start3A_371 = arith.constant 0 : i32
      %dma_start3A_372 = tpu.memref_slice %arg4[%add3A_363, %dma_start3A_371] : memref<819200x128xf32, #tpu.memory_space<hbm>> -> memref<256x128xf32, #tpu.memory_space<hbm>>
      %dma_start3A_373 = arith.constant 0 : i32
      %dma_start3A_374 = arith.constant 0 : i32
      %dma_start3A_375 = tpu.memref_slice %arg6[%dma_start3A_364, %dma_start3A_373, %dma_start3A_374] : memref<2x256x128xf32, #tpu.memory_space<vmem>> -> memref<1x256x128xf32, #tpu.memory_space<vmem>>
      %dma_start3A_376 = tpu.memref_squeeze %dma_start3A_375 : memref<1x256x128xf32, #tpu.memory_space<vmem>> -> memref<256x128xf32, #tpu.memory_space<vmem>>
      tpu.enqueue_dma source(%dma_start3A_376 : memref<256x128xf32, #tpu.memory_space<vmem>>) target(%dma_start3A_372 : memref<256x128xf32, #tpu.memory_space<hbm>>) target_semaphore(%arg9 : memref<!tpu.dma_semaphore, #tpu.memory_space<semaphore_mem>>)
    }
    %scan3A_122 = arith.constant 49 : i32
    %add3A_123 = arith.constant 25088 : i32
    %add3A_124 = arith.addi %mul3A_2, %add3A_123 : i32
    %dma_wait3A_125 = arith.constant 0 : i32
    %dma_wait3A_126 = arith.constant 0 : i32
    %dma_wait3A_127 = arith.constant 0 : i32
    %dma_wait3A_128 = tpu.memref_slice %arg6[%dma_wait3A_125, %dma_wait3A_126, %dma_wait3A_127] : memref<2x256x128xf32, #tpu.memory_space<vmem>> -> memref<1x256x128xf32, #tpu.memory_space<vmem>>
    %dma_wait3A_129 = tpu.memref_squeeze %dma_wait3A_128 : memref<1x256x128xf32, #tpu.memory_space<vmem>> -> memref<256x128xf32, #tpu.memory_space<vmem>>
    %dma_wait3A_130 = arith.constant 0 : i32
    %dma_wait3A_131 = tpu.memref_slice %arg4[%add3A_124, %dma_wait3A_130] : memref<819200x128xf32, #tpu.memory_space<hbm>> -> memref<256x128xf32, #tpu.memory_space<hbm>>
    %dma_wait3A_132 = arith.constant 0 : i32
    %dma_wait3A_133 = tpu.memref_slice %arg4[%add3A_124, %dma_wait3A_132] : memref<819200x128xf32, #tpu.memory_space<hbm>> -> memref<256x128xf32, #tpu.memory_space<hbm>>
    %dma_wait3A_134 = arith.constant 0 : i32
    %dma_wait3A_135 = arith.constant 0 : i32
    %dma_wait3A_136 = tpu.memref_slice %arg6[%dma_wait3A_125, %dma_wait3A_134, %dma_wait3A_135] : memref<2x256x128xf32, #tpu.memory_space<vmem>> -> memref<1x256x128xf32, #tpu.memory_space<vmem>>
    %dma_wait3A_137 = tpu.memref_squeeze %dma_wait3A_136 : memref<1x256x128xf32, #tpu.memory_space<vmem>> -> memref<256x128xf32, #tpu.memory_space<vmem>>
    tpu.wait_dma2 semaphore(%arg9 : memref<!tpu.dma_semaphore, #tpu.memory_space<semaphore_mem>>) src(%dma_wait3A_137 : memref<256x128xf32, #tpu.memory_space<vmem>>) dst(%dma_wait3A_133 : memref<256x128xf32, #tpu.memory_space<hbm>>)
    %add3A_138 = arith.constant 25344 : i32
    %add3A_139 = arith.addi %mul3A_2, %add3A_138 : i32
    %dma_wait3A_140 = arith.constant 1 : i32
    %dma_wait3A_141 = arith.constant 0 : i32
    %dma_wait3A_142 = arith.constant 0 : i32
    %dma_wait3A_143 = tpu.memref_slice %arg6[%dma_wait3A_140, %dma_wait3A_141, %dma_wait3A_142] : memref<2x256x128xf32, #tpu.memory_space<vmem>> -> memref<1x256x128xf32, #tpu.memory_space<vmem>>
    %dma_wait3A_144 = tpu.memref_squeeze %dma_wait3A_143 : memref<1x256x128xf32, #tpu.memory_space<vmem>> -> memref<256x128xf32, #tpu.memory_space<vmem>>
    %dma_wait3A_145 = arith.constant 0 : i32
    %dma_wait3A_146 = tpu.memref_slice %arg4[%add3A_139, %dma_wait3A_145] : memref<819200x128xf32, #tpu.memory_space<hbm>> -> memref<256x128xf32, #tpu.memory_space<hbm>>
    %dma_wait3A_147 = arith.constant 0 : i32
    %dma_wait3A_148 = arith.constant 0 : i32
    %dma_wait3A_149 = tpu.memref_slice %arg6[%dma_wait3A_140, %dma_wait3A_147, %dma_wait3A_148] : memref<2x256x128xf32, #tpu.memory_space<vmem>> -> memref<1x256x128xf32, #tpu.memory_space<vmem>>
    %dma_wait3A_150 = tpu.memref_squeeze %dma_wait3A_149 : memref<1x256x128xf32, #tpu.memory_space<vmem>> -> memref<256x128xf32, #tpu.memory_space<vmem>>
    %dma_wait3A_151 = arith.constant 0 : i32
    %dma_wait3A_152 = tpu.memref_slice %arg4[%add3A_139, %dma_wait3A_151] : memref<819200x128xf32, #tpu.memory_space<hbm>> -> memref<256x128xf32, #tpu.memory_space<hbm>>
    tpu.wait_dma2 semaphore(%arg8 : memref<!tpu.dma_semaphore, #tpu.memory_space<semaphore_mem>>) src(%dma_wait3A_152 : memref<256x128xf32, #tpu.memory_space<hbm>>) dst(%dma_wait3A_150 : memref<256x128xf32, #tpu.memory_space<vmem>>)
    %add3A_153 = arith.constant 25344 : i32
    %add3A_154 = arith.addi %mul3A_2, %add3A_153 : i32
    %dma_start3A_155 = arith.constant 1 : i32
    %dma_start3A_156 = arith.constant 0 : i32
    %dma_start3A_157 = arith.constant 0 : i32
    %dma_start3A_158 = tpu.memref_slice %arg6[%dma_start3A_155, %dma_start3A_156, %dma_start3A_157] : memref<2x256x128xf32, #tpu.memory_space<vmem>> -> memref<1x256x128xf32, #tpu.memory_space<vmem>>
    %dma_start3A_159 = tpu.memref_squeeze %dma_start3A_158 : memref<1x256x128xf32, #tpu.memory_space<vmem>> -> memref<256x128xf32, #tpu.memory_space<vmem>>
    %dma_start3A_160 = arith.constant 0 : i32
    %dma_start3A_161 = tpu.memref_slice %arg4[%add3A_154, %dma_start3A_160] : memref<819200x128xf32, #tpu.memory_space<hbm>> -> memref<256x128xf32, #tpu.memory_space<hbm>>
    %dma_start3A_162 = arith.constant 0 : i32
    %dma_start3A_163 = tpu.memref_slice %arg4[%add3A_154, %dma_start3A_162] : memref<819200x128xf32, #tpu.memory_space<hbm>> -> memref<256x128xf32, #tpu.memory_space<hbm>>
    %dma_start3A_164 = arith.constant 0 : i32
    %dma_start3A_165 = arith.constant 0 : i32
    %dma_start3A_166 = tpu.memref_slice %arg6[%dma_start3A_155, %dma_start3A_164, %dma_start3A_165] : memref<2x256x128xf32, #tpu.memory_space<vmem>> -> memref<1x256x128xf32, #tpu.memory_space<vmem>>
    %dma_start3A_167 = tpu.memref_squeeze %dma_start3A_166 : memref<1x256x128xf32, #tpu.memory_space<vmem>> -> memref<256x128xf32, #tpu.memory_space<vmem>>
    tpu.enqueue_dma source(%dma_start3A_167 : memref<256x128xf32, #tpu.memory_space<vmem>>) target(%dma_start3A_163 : memref<256x128xf32, #tpu.memory_space<hbm>>) target_semaphore(%arg10 : memref<!tpu.dma_semaphore, #tpu.memory_space<semaphore_mem>>)
    %add3A_168 = arith.constant 25344 : i32
    %add3A_169 = arith.addi %mul3A_2, %add3A_168 : i32
    %dma_wait3A_170 = arith.constant 1 : i32
    %dma_wait3A_171 = arith.constant 0 : i32
    %dma_wait3A_172 = arith.constant 0 : i32
    %dma_wait3A_173 = tpu.memref_slice %arg6[%dma_wait3A_170, %dma_wait3A_171, %dma_wait3A_172] : memref<2x256x128xf32, #tpu.memory_space<vmem>> -> memref<1x256x128xf32, #tpu.memory_space<vmem>>
    %dma_wait3A_174 = tpu.memref_squeeze %dma_wait3A_173 : memref<1x256x128xf32, #tpu.memory_space<vmem>> -> memref<256x128xf32, #tpu.memory_space<vmem>>
    %dma_wait3A_175 = arith.constant 0 : i32
    %dma_wait3A_176 = tpu.memref_slice %arg4[%add3A_169, %dma_wait3A_175] : memref<819200x128xf32, #tpu.memory_space<hbm>> -> memref<256x128xf32, #tpu.memory_space<hbm>>
    %dma_wait3A_177 = arith.constant 0 : i32
    %dma_wait3A_178 = tpu.memref_slice %arg4[%add3A_169, %dma_wait3A_177] : memref<819200x128xf32, #tpu.memory_space<hbm>> -> memref<256x128xf32, #tpu.memory_space<hbm>>
    %dma_wait3A_179 = arith.constant 0 : i32
    %dma_wait3A_180 = arith.constant 0 : i32
    %dma_wait3A_181 = tpu.memref_slice %arg6[%dma_wait3A_170, %dma_wait3A_179, %dma_wait3A_180] : memref<2x256x128xf32, #tpu.memory_space<vmem>> -> memref<1x256x128xf32, #tpu.memory_space<vmem>>
    %dma_wait3A_182 = tpu.memref_squeeze %dma_wait3A_181 : memref<1x256x128xf32, #tpu.memory_space<vmem>> -> memref<256x128xf32, #tpu.memory_space<vmem>>
    tpu.wait_dma2 semaphore(%arg10 : memref<!tpu.dma_semaphore, #tpu.memory_space<semaphore_mem>>) src(%dma_wait3A_182 : memref<256x128xf32, #tpu.memory_space<vmem>>) dst(%dma_wait3A_178 : memref<256x128xf32, #tpu.memory_space<hbm>>)
    return
  }
}

</mosaic_0001>

<sc_bundles>
// kernel: kernel.3.cloned.1.call-start
scs
__scs_entry_jumppad:
0x0: {  	(pc) =	sbr.rel $0x88, $3  }
0x1: {  	(tag) =	ssettag $0x0;
	lr =	simm.s32 $0x1  }
0x2: {  	[smem:$0x3F9F] =	sst lr;
	_ =	strace $0xD0000000  }
0x3: {  	_ = 	snop  }
0x4: {  	_ = 	snop  }
0x5: {  	_ = 	snop  }
0x6: {  	_ = 	snop  }
0x7: {  	_ = 	snop  }
__scs_overlays_trampoline_lowered:
0x8: {  	[smem:$0x3FAE] =	sst s0  }
0x9: {  	[smem:$0x3FAF] =	sst s1  }
0xa: {  	[smem:$0x3FB0] =	sst s2  }
0xb: {  	[smem:$0x3FB1] =	sst s3  }
0xc: {  	[smem:$0x3FB2] =	sst s4  }
0xd: {  	[smem:$0x3FB3] =	sst s5  }
0xe: {  	[smem:$0x3FB4] =	sst s6  }
0xf: {  	[smem:$0x3FB5] =	sst s7  }
0x10: {  	[smem:$0x3FB6] =	sst s8  }
0x11: {  	[smem:$0x3FB7] =	sst s9;
	s0 =	simm.s32 @!p0 $0x0  }
0x12: {  	s1 =	sld [smem:$0x3F9D];
	s0 =	simm.s32 @p0 $0x1  }
0x13: {  	[smem:$0x3FB8] =	sst s0;
	s0 =	simm.s32 @!p1 $0x0  }
0x14: {  	s2 =	sld [smem:$0x3F9C];
	s0 =	simm.s32 @p1 $0x1  }
0x15: {  	[smem:$0x3FB9] =	sst s0;
	s0 =	simm.s32 @!p2 $0x0  }
0x16: {  	s3 =	sld [smem:$0x3FDB];
	s0 =	simm.s32 @p2 $0x1  }
0x17: {  	s4 =	simm.s32 $0x1BF5;
	[smem:$0x3FBB] =	sst s0  }
0x18: {  	s0 =	sld [smem:$0x3F9E];
	_ =	swait.ge [sflag:s4], $0x0  }
0x19: {  	s7 =	sld [smem:$0x3F9F]  }
0x1a: {  	s8 =	sadd.s32 $0xFFFFE003, lr  }
0x1b: {  	s9 =	sadd.s32 $0xFFFFFEF7, lr;
	s5 =	simm.s32 $0xFFFFFFFF;
	p2 =	slt.u32 s8, $0xFFFFF086  }
0x1c: {  	p1 =	slt.u32 s9, $0xF7A;
	s5 =	simm.s32 @!p2 $0x0  }
0x1d: {  	s5 =	simm.s32 @p1 $0x1;
	p0 =	seq.s32 s7, s2  }
0x1e: {  	s7 =	smul.u32 @!p0 $0xF7A, s2;
	p2 =	seq.s32 @!p0 s5, $0x0  }
0x1f: {  	s9 =	smul.u32 $0xF7A, s1;
	s8 =	simm.s32 @!p0 $0x1BF5;
	p2 =	por !p2, p0  }
0x20: {  	[sflag:s8] =	ssyncset.s32 @!p0 $0xFFFFF086;
	s6 =	sadd.s32 @!p0 s3, s7;
	s7 =	simm.s32 @!p0 $0x108  }
0x21: {  	s3 =	sadd.s32 s3, s9;
	s6 =	sadd.s32 @!p0 $0x88, s6;
	s7 =	simm.s32 @p2 $0x1082  }
0x22: {  	[simem:s7], [sflag:s8] =	dma.local @!p0 [hbm:s6], $0xF7A  }
0x23: {  	s9 =	sor.u32 $0xD0000000, s2;
	s6 =	simm.s32 $0x108;
	_ =	swait.ge @!p0 [sflag:s8], $0x0  }
0x24: {  	s3 =	sadd.s32 $0x88, s3;
	s6 =	simm.s32 @!p1 $0x1082;
	[sflag:s4] =	ssyncset.s32 $0xFFFFF086  }
0x25: {  	[simem:s6], [sflag:s4] =	dma.local [hbm:s3], $0xF7A  }
0x26: {  	[smem:$0x3F9F] =	sst s1;
	(tag) =	ssettag s2;
	_ =	strace s9  }
0x27: {  	s1 =	sld [smem:$0x3FAF]  }
0x28: {  	s2 =	sld [smem:$0x3FB0]  }
0x29: {  	s4 =	sld [smem:$0x3FB2]  }
0x2a: {  	p0 =	seq.s32 s5, $0x0;
	s5 =	sld [smem:$0x3FB3]  }
0x2b: {  	s6 =	sld [smem:$0x3FB4]  }
0x2c: {  	s7 =	sld [smem:$0x3FB5]  }
0x2d: {  	s3 =	simm.s32 $0x108;
	s8 =	sld [smem:$0x3FB6]  }
0x2e: {  	s3 =	simm.s32 @!p0 $0x1082;
	s9 =	sld [smem:$0x3FB7]  }
0x2f: {  	lr =	sadd.s32 s0, s3;
	s0 =	sld [smem:$0x3FAE]  }
0x30: {  	s3 =	sld [smem:$0x3FB1]  }
0x31: {  	[smem:$0x3FBA] =	sst s10  }
0x32: {  	s10 =	sld [smem:$0x3FB8];
	_ =	sdelay $0x3  }
0x33: {  	p0 =	seq.s32 s10, $0x1;
	s10 =	sld [smem:$0x3FBA];
	_ =	sdelay $0x3  }
0x34: {  	[smem:$0x3FBA] =	sst s10  }
0x35: {  	s10 =	sld [smem:$0x3FB9];
	_ =	sdelay $0x3  }
0x36: {  	p1 =	seq.s32 s10, $0x1;
	s10 =	sld [smem:$0x3FBA];
	_ =	sdelay $0x3  }
0x37: {  	[smem:$0x3FBA] =	sst s10  }
0x38: {  	s10 =	sld [smem:$0x3FBB]  }
0x39: {  	_ = 	snop;
	(pc) =	sbr.ind lr, $3  }
0x3a: {  	_ = 	snop  }
0x3b: {  	_ = 	snop  }
0x3c: {  	p2 =	seq.s32 s10, $0x1;
	s10 =	sld [smem:$0x3FBA]  }
0x3d: {  	_ =	shalt  }
0x3e: {  	_ =	shalt  }
0x3f: {  	_ =	shalt  }
0x40: {  	_ =	shalt  }
0x41: {  	_ =	shalt  }
0x42: {  	_ =	shalt  }
0x43: {  	_ =	shalt  }
0x44: {  	_ =	shalt  }
0x45: {  	_ =	shalt  }
0x46: {  	_ =	shalt  }
0x47: {  	_ =	shalt  }
0x48: {  	_ =	shalt  }
0x49: {  	_ =	shalt  }
0x4a: {  	_ =	shalt  }
0x4b: {  	_ =	shalt  }
0x4c: {  	_ =	shalt  }
0x4d: {  	_ =	shalt  }
0x4e: {  	_ =	shalt  }
0x4f: {  	_ =	shalt  }
0x50: {  	_ =	shalt  }
0x51: {  	_ =	shalt  }
0x52: {  	_ =	shalt  }
0x53: {  	_ =	shalt  }
0x54: {  	_ =	shalt  }
0x55: {  	_ =	shalt  }
0x56: {  	_ =	shalt  }
0x57: {  	_ =	shalt  }
0x58: {  	_ =	shalt  }
0x59: {  	_ =	shalt  }
0x5a: {  	_ =	shalt  }
0x5b: {  	_ =	shalt  }
0x5c: {  	_ =	shalt  }
0x5d: {  	_ =	shalt  }
0x5e: {  	_ =	shalt  }
0x5f: {  	_ =	shalt  }
0x60: {  	_ =	shalt  }
0x61: {  	_ =	shalt  }
0x62: {  	_ =	shalt  }
0x63: {  	_ =	shalt  }
0x64: {  	_ =	shalt  }
0x65: {  	_ =	shalt  }
0x66: {  	_ =	shalt  }
0x67: {  	_ =	shalt  }
0x68: {  	_ =	shalt  }
0x69: {  	_ =	shalt  }
0x6a: {  	_ =	shalt  }
0x6b: {  	_ =	shalt  }
0x6c: {  	_ =	shalt  }
0x6d: {  	_ =	shalt  }
0x6e: {  	_ =	shalt  }
0x6f: {  	_ =	shalt  }
0x70: {  	_ =	shalt  }
0x71: {  	_ =	shalt  }
0x72: {  	_ =	shalt  }
0x73: {  	_ =	shalt  }
0x74: {  	_ =	shalt  }
0x75: {  	_ =	shalt  }
0x76: {  	_ =	shalt  }
0x77: {  	_ =	shalt  }
0x78: {  	_ =	shalt  }
0x79: {  	_ =	shalt  }
0x7a: {  	_ =	shalt  }
0x7b: {  	_ =	shalt  }
0x7c: {  	_ =	shalt  }
0x7d: {  	_ =	shalt  }
0x7e: {  	_ =	shalt  }
0x7f: {  	_ =	shalt  }
0x80: {  	_ =	shalt  }
0x81: {  	_ =	shalt  }
0x82: {  	_ =	shalt  }
0x83: {  	_ =	shalt  }
0x84: {  	_ =	shalt  }
0x85: {  	_ =	shalt  }
0x86: {  	_ =	shalt  }
0x87: {  	_ =	shalt  }
.Lfunc_end0:
.L_simem_size_0:
called_computation.1_lowered:
.L_overlay_start_0:
0x88: {  	s2 =	sld [smem:$0x3FD9]  }
0x89: {  	s3 =	sld [smem:$0x3FFE];
	_ =	sdelay $0x1  }
0x8a: {  	s1 =	srdreg.scid  }
0x8b: {  	s0 =	sand.u32 $0x1, s1  }
0x8c: {  	s17 =	sshll.u32 s0, $0xA;
	s2 =	sadd.s32 s3, s2  }
0x8d: {  	s2 =	sadd.s32 s2, s17  }
0x8e: {  	[smem:$0x3FC6] =	sst s2  }
0x8f: {  	_ = 	snop  }
0x90: {  	s2 =	sld [smem:$0x3FD0];
	(tm) =	ssettm $0x1  }
0x91: {  	s18 =	sld [smem:$0x3FFB];
	_ =	sdelay $0x3  }
0x92: {  	_ =	strace s18  }
0x93: {  	s3 =	sld [smem:$0x3FFC];
	_ =	sdelay $0x3  }
0x94: {  	_ =	strace s3  }
0x95: {  	s3 =	sld [smem:$0x3FFD];
	_ =	sdelay $0x3  }
0x96: {  	_ =	strace s3  }
0x97: {  	_ =	strace $0x8FFFFFFF  }
0x98: {  	s19 =	sld [smem:$0x3FDB];
	_ =	sdelay $0x1  }
0x99: {  	s4 =	simm.s32 $_scs_section_size  }
0x9a: {  	s5 =	simm.s32 $_size__tile_overlayer_lowered;
	s6 =	simm.s32 $_tile_overlayer_lowered  }
0x9b: {  	s22 =	simm.s32 $0x1BFF;
	s21 =	sshll.u32 s6, $0x1;
	s3 =	sadd.s32 s4, s19  }
0x9c: {  	s7 =	simm.s32 $0x0;
	s20 =	sshll.u32 s5, $0x1;
	s5 =	sadd.s32 s21, s3  }
0x9d: {  	[timem:s7], [sflag:s22] =	dma.local [hbm:s5], s20  }
0x9e: {  	_ =	swait.ge [sflag:s22], s20  }
0x9f: {  	s4 =	ssub.s32 $0x0, s20;
	[sflag:s22] =	ssyncset.done $0x0  }
0xa0: {  	[sflag:s22] =	ssyncadd.s32 s4;
	_ =	sdelay $0x1  }
0xa1: {  	s23 =	simm.s32 $0x1B8B  }
0xa2: {  	_ =	swait.ge [sflag:s23], $0x1  }
0xa3: {  	[sflag:s23] =	ssyncset.done $0x0  }
0xa4: {  	s25 =	simm.s32 $0x1B8E;
	s24 =	sld [smem:$0x3FFE];
	[sflag:s23] =	ssyncadd.s32 $0xFFFFFFFF  }
0xa5: {  	s26 =	simm.s32 $execute0_lowered;
	[smem:$0x3FD2] =	sst s25  }
0xa6: {  	s5 =	sshll.u32 s26, $0x1;
	_ =	strace $0x80000046;
	[dreg:$0x1] =	wrdreg $0xFFFFFFFF  }
0xa7: {  	s28 =	simm.s32 $_size_execute0_lowered;
	s3 =	sadd.s32 s3, s5;
	[dreg:$0x0] =	wrdreg $0x0  }
0xa8: {  	s5 =	sshll.u32 s28, $0x1;
	[dreg:$0x2] =	wrdreg s3  }
0xa9: {  	[dreg:$0x3] =	wrdreg s5  }
0xaa: {  	[dreg:$0x4] =	wrdreg $0xC0  }
0xab: {  	_ =	task [dreg:s7], $0x5FFFF  }
0xac: {  	[dreg:$0x1] =	wrdreg $0xFFFFFFFF  }
0xad: {  	[dreg:$0x0] =	wrdreg $0x60  }
0xae: {  	[dreg:$0x2] =	wrdreg s2  }
0xaf: {  	[dreg:$0x3] =	wrdreg s24  }
0xb0: {  	[dreg:$0x4] =	wrdreg $0x9  }
0xb1: {  	_ =	task.clear_ibuf [dreg:s7], $0x5FFFF;
	_ =	strace $0x90000046  }
0xb2: {  	s29 =	simm.s32 $0x9;
	_ =	strace $0x80000048  }
0xb3: {  	_ =	swait.ge [sflag:s29], $0x1  }
0xb4: {  	[sflag:s29] =	ssyncadd.s32 $0xFFFFFFFF  }
0xb5: {  	_ =	strace $0x90000048  }
0xb6: {  	_ =	sfence  }
0xb7: {  	s30 =	sld [smem:$0x0];
	_ =	sdelay $0x2  }
0xb8: {  	s31 =	sshll.u32 s1, $0xD;
	s1 =	sshrl.u32 s1, $0x2  }
0xb9: {  	s3 =	sand.u32 $0x4000, s31;
	s1 =	sadd.s32 s1, s30  }
0xba: {  	s0 =	sor.u32 s3, s0;
	s1 =	sshll.u32 s1, $0x11  }
0xbb: {  	s0 =	sor.u32 s1, s0  }
0xbc: {  	s0 =	sadd.s32 $0x8F2B, s0  }
0xbd: {  	[sflag:s0] =	ssyncadd.remote.s32 $0x1  }
0xbe: {  	_ =	sfence.sel $0xFFFF  }
0xbf: {  	[dreg:$0x0] =	wrdreg $0xFFFFFFFF;
	(pc) =	sbr.abs _section_cstart, $3  }
0xc0: {  	[dreg:$0x1] =	wrdreg $0xFFFFFFFF  }
0xc1: {  	_ =	task.clear_ibuf [dreg:s7], $0x2FFFF;
	_ =	strace $0x9FFFFFFF  }
0xc2: {  	(tm) =	ssettm $0x7FFFFFFF  }
0xc3: {  	_ =	shalt  }
tec
execute0_lowered:
.L_overlay_start_1:
0x0: {  	(tag) =	ssettag $0x1  }
0x1: {  	s0 =	stileid.u32  }
0x2: {  	s11 =	smul.u32 $0x1900, s0  }
0x3: {  	s1 =	srdreg.scid;
	s25 =	smul.u32 $0x640000, s0  }
0x4: {  	s2 =	rddreg [dreg:$0x0];
	s16 =	smul.u32 $0xC8000, s0  }
0x5: {  	s5 =	rddreg [dreg:$0x1];
	s10 =	sand.u32 $0x1, s1;
	s26 =	smul.u32 $0xC800, s0  }
0x6: {  	s3 =	simm.s32 $0x0;
	s18 =	simm.s32 $0xC200;
	s13 =	smul.u32 $0xC80, s10  }
0x7: {  	s19 =	simm.s32 $0x1;
	s20 =	simm.s32 $0x3;
	s15 =	smul.u32 $0x320000, s10  }
0x8: {  	s21 =	simm.s32 $0x200;
	s24 =	sshll.u32 s0, $0x1;
	s17 =	smul.u32 $0x64000, s10  }
0x9: {  	s22 =	simm.s32 $0x2;
	s4 =	sor.u32 s10, s24;
	s28 =	smul.u32 $0x6400, s10  }
0xa: {  	s23 =	simm.s32 $0x4;
	[smem:$0x7FF] =	sst s3;
	s6 =	smul.u32 $0xC80, s4  }
0xb: {  	s14 =	sadd.s32 $0xA00, s5;
	_ =	strace $0x80000047;
	s7 =	smul.u32 $0x64000, s4  }
0xc: {  	s9 =	ssub.s32 $0x2, s10;
	s24 =	simm.s32 $0x0;
	s8 =	smul.u32 $0x320000, s4  }
0xd: {  	s4 =	sadd.s32 $0xF42E00, s5;
	s12 =	sshrl.u32 s9, $0x1;
	s30 =	sadd.s32 s16, s14  }
0xe: {  	s16 =	simm.s32 $0x8200;
	s9 =	ssub.s32 s9, s12;
	s12 =	sadd.s32 s15, s25  }
0xf: {  	s11 =	sadd.s32 s13, s11;
	s31 =	sadd.s32 s28, s26;
	s13 =	simm.s32 $0x80  }
0x10: {  	s15 =	simm.s32 $0x100;
	s5 =	sadd.s32 s2, s6;
	s8 =	sshrl.u32 s8, $0x3  }
0x11: {  	s7 =	sadd.s32 s14, s7;
	s9 =	smax.u32 s9, $0x1;
	[dreg:$0x3] =	wrdreg s11  }
0x12: {  	s12 =	sor.u32 $0x10000, s12;
	s11 =	sadd.s32 s17, s30;
	[dreg:$0x4] =	wrdreg s31  }
0x13: {  	s17 =	simm.s32 $0x180;
	s6 =	sadd.s32 $0x20, s5;
	s8 =	sadd.s32 s14, s8  }
0x14: {  	s29 =	sshrl.u32 s12, $0x3;
	s11 =	sadd.s32 $0x1000, s11;
	s12 =	simm.s32 $0x5  }
0x15: {  	s8 =	sadd.s32 $0x63000, s8;
	s10 =	sadd.s32 s29, s14;
	s14 =	simm.s32 $0x4200  }
.LBB2_1:
0x16: {  	[tilespmem:s3], [sflag:$0x5] =	stream.linear.gather [hbm4b:s5+s3], $0x100, $0x38;
	[tilespmem:$0x10200] =	vst v63  }
0x17: {  	_ =	swait.ge [sflag:s12], $0x100  }
0x18: {  	[sflag:s12] =	ssyncset.done $0x0  }
0x19: {  	[sflag:s12] =	ssyncadd.s32 $0xFFFFFF00  }
0x1a: {  	[tilespmem:s21], [sflag:$0x1] =	stream.indirect.gather [hbm4b:s4+s13], $0x80, s3, s13, $0xb8;
	[tilespmem:$0x10200] =	vst v63  }
0x1b: {  	_ = 	snop  }
0x1c: {  	[tilespmem:s14], [sflag:$0x1] =	stream.indirect.gather [hbm4b:s4+s13], $0x80, s13, s13, $0xb8;
	[tilespmem:$0x10200] =	vst v63  }
0x1d: {  	_ = 	snop  }
0x1e: {  	[tilespmem:s15], [sflag:$0x5] =	stream.linear.gather [hbm4b:s6+s3], $0x100, $0x38;
	[tilespmem:$0x10200] =	vst v63  }
0x1f: {  	_ =	swait.ge [sflag:s12], $0x100  }
0x20: {  	[sflag:s12] =	ssyncset.done $0x0  }
0x21: {  	[sflag:s12] =	ssyncadd.s32 $0xFFFFFF00  }
0x22: {  	[tilespmem:s16], [sflag:$0x2] =	stream.indirect.gather [hbm4b:s4+s13], $0x80, s15, s13, $0xb8;
	[tilespmem:$0x10200] =	vst v63  }
0x23: {  	_ = 	snop  }
0x24: {  	[tilespmem:s18], [sflag:$0x2] =	stream.indirect.gather [hbm4b:s4+s13], $0x80, s17, s13, $0xb8;
	[tilespmem:$0x10200] =	vst v63  }
0x25: {  	_ =	swait.ge [sflag:s19], $0x8000  }
0x26: {  	[sflag:s19] =	ssyncset.done $0x0  }
0x27: {  	[sflag:s19] =	ssyncadd.s32 $0xFFFF8000  }
0x28: {  	[hbm4b:s7+s3] =	stream.linear.scatter [tilespmem:s21], [sflag:$0x3], $0x8000, $0x38;
	[tilespmem:$0x10200] =	vst v63  }
0x29: {  	_ =	swait.ge [sflag:s20], $0x8000  }
0x2a: {  	s25 =	rddreg [dreg:$0x4]  }
0x2b: {  	s25 =	sadd.s32 $0x200, s25  }
0x2c: {  	s26 =	sand.u32 $0x200, s21;
	s25 =	sand.u32 $0x1FFC00, s25  }
0x2d: {  	s25 =	sor.u32 s26, s25  }
0x2e: {  	[sflag:s20] =	ssyncset.done $0x0;
	s25 =	sshrl.u32 s25, $0x3  }
0x2f: {  	[sflag:s20] =	ssyncadd.s32 $0xFFFF8000;
	s25 =	sadd.s32 s2, s25  }
0x30: {  	[tilespmem:s3], [sflag:$0x5] =	stream.linear.gather [hbm4b:s25+s3], $0x100, $0x38;
	[tilespmem:$0x10200] =	vst v63  }
0x31: {  	_ =	swait.ge [sflag:s12], $0x100  }
0x32: {  	[sflag:s12] =	ssyncset.done $0x0  }
0x33: {  	[sflag:s12] =	ssyncadd.s32 $0xFFFFFF00  }
0x34: {  	[tilespmem:s21], [sflag:$0x1] =	stream.indirect.gather [hbm4b:s4+s13], $0x80, s3, s13, $0xb8;
	[tilespmem:$0x10200] =	vst v63  }
0x35: {  	_ = 	snop  }
0x36: {  	[tilespmem:s14], [sflag:$0x1] =	stream.indirect.gather [hbm4b:s4+s13], $0x80, s13, s13, $0xb8;
	[tilespmem:$0x10200] =	vst v63  }
0x37: {  	_ =	swait.ge [sflag:s22], $0x8000  }
0x38: {  	[sflag:s22] =	ssyncset.done $0x0  }
0x39: {  	[sflag:s22] =	ssyncadd.s32 $0xFFFF8000  }
0x3a: {  	[hbm4b:s11+s3] =	stream.linear.scatter [tilespmem:s16], [sflag:$0x4], $0x8000, $0x38;
	[tilespmem:$0x10200] =	vst v63  }
0x3b: {  	_ =	swait.ge [sflag:s23], $0x8000  }
0x3c: {  	s31 =	simm.s32 $0x40;
	s26 =	rddreg [dreg:$0x3]  }
0x3d: {  	s25 =	sadd.s32 $0x40, s26;
	s26 =	sand.u32 $0x40, s31  }
0x3e: {  	s25 =	sand.u32 $0xFFFFF80, s25;
	s26 =	sadd.s32 s26, s2  }
0x3f: {  	[sflag:s23] =	ssyncset.done $0x0;
	s25 =	sadd.s32 s25, s26  }
0x40: {  	[sflag:s23] =	ssyncadd.s32 $0xFFFF8000;
	s25 =	sadd.s32 $0x20, s25  }
0x41: {  	[tilespmem:s15], [sflag:$0x5] =	stream.linear.gather [hbm4b:s25+s3], $0x100, $0x38;
	[tilespmem:$0x10200] =	vst v63  }
0x42: {  	_ =	swait.ge [sflag:s12], $0x100  }
0x43: {  	[sflag:s12] =	ssyncset.done $0x0  }
0x44: {  	[sflag:s12] =	ssyncadd.s32 $0xFFFFFF00  }
0x45: {  	[tilespmem:s16], [sflag:$0x2] =	stream.indirect.gather [hbm4b:s4+s13], $0x80, s15, s13, $0xb8;
	[tilespmem:$0x10200] =	vst v63  }
0x46: {  	_ = 	snop  }
0x47: {  	[tilespmem:s18], [sflag:$0x2] =	stream.indirect.gather [hbm4b:s4+s13], $0x80, s17, s13, $0xb8;
	[tilespmem:$0x10200] =	vst v63  }
0x48: {  	s28 =	sadd.s32 $0x2000, s10;
	_ =	swait.ge [sflag:s19], $0x8000  }
0x49: {  	s29 =	sadd.s32 $0x2000, s11;
	s30 =	smov.u32 s10;
	[sflag:s19] =	ssyncset.done $0x0  }
0x4a: {  	s26 =	simm.s32 $0x400;
	s25 =	simm.s32 $0x80;
	[sflag:s19] =	ssyncadd.s32 $0xFFFF8000  }
.LBB2_2:
0x4b: {  	[hbm4b:s30+s3] =	stream.linear.scatter [tilespmem:s21], [sflag:$0x3], $0x8000, $0x38;
	[tilespmem:$0x10200] =	vst v63  }
0x4c: {  	_ =	swait.ge [sflag:s20], $0x8000  }
0x4d: {  	s1 =	rddreg [dreg:$0x4]  }
0x4e: {  	s1 =	sadd.s32 s26, s1  }
0x4f: {  	s0 =	sand.u32 $0x200, s26;
	s1 =	sand.u32 $0x1FFC00, s1  }
0x50: {  	s0 =	sor.u32 s0, s1  }
0x51: {  	[sflag:s20] =	ssyncset.done $0x0;
	s0 =	sshrl.u32 s0, $0x3  }
0x52: {  	[sflag:s20] =	ssyncadd.s32 $0xFFFF8000;
	s0 =	sadd.s32 s2, s0  }
0x53: {  	[tilespmem:s3], [sflag:$0x5] =	stream.linear.gather [hbm4b:s0+s3], $0x100, $0x38;
	[tilespmem:$0x10200] =	vst v63  }
0x54: {  	_ =	swait.ge [sflag:s12], $0x100  }
0x55: {  	[sflag:s12] =	ssyncset.done $0x0  }
0x56: {  	[sflag:s12] =	ssyncadd.s32 $0xFFFFFF00  }
0x57: {  	[tilespmem:s21], [sflag:$0x1] =	stream.indirect.gather [hbm4b:s4+s13], $0x80, s3, s13, $0xb8;
	[tilespmem:$0x10200] =	vst v63  }
0x58: {  	_ = 	snop  }
0x59: {  	[tilespmem:s14], [sflag:$0x1] =	stream.indirect.gather [hbm4b:s4+s13], $0x80, s13, s13, $0xb8;
	[tilespmem:$0x10200] =	vst v63  }
0x5a: {  	_ =	swait.ge [sflag:s22], $0x8000  }
0x5b: {  	[sflag:s22] =	ssyncset.done $0x0  }
0x5c: {  	[sflag:s22] =	ssyncadd.s32 $0xFFFF8000  }
0x5d: {  	[hbm4b:s29+s3] =	stream.linear.scatter [tilespmem:s16], [sflag:$0x4], $0x8000, $0x38;
	[tilespmem:$0x10200] =	vst v63  }
0x5e: {  	_ =	swait.ge [sflag:s23], $0x8000  }
0x5f: {  	s31 =	smov.u32 s25;
	s1 =	rddreg [dreg:$0x3]  }
0x60: {  	s0 =	sadd.s32 s31, s1;
	s31 =	sand.u32 $0x40, s31  }
0x61: {  	s0 =	sand.u32 $0xFFFFF80, s0;
	s1 =	sadd.s32 s31, s2  }
0x62: {  	[sflag:s23] =	ssyncset.done $0x0;
	s0 =	sadd.s32 s0, s1  }
0x63: {  	[sflag:s23] =	ssyncadd.s32 $0xFFFF8000;
	s0 =	sadd.s32 $0x20, s0  }
0x64: {  	[tilespmem:s15], [sflag:$0x5] =	stream.linear.gather [hbm4b:s0+s3], $0x100, $0x38;
	[tilespmem:$0x10200] =	vst v63  }
0x65: {  	_ =	swait.ge [sflag:s12], $0x100  }
0x66: {  	[sflag:s12] =	ssyncset.done $0x0  }
0x67: {  	p0 =	sne.s32 s25, $0xC40;
	[sflag:s12] =	ssyncadd.s32 $0xFFFFFF00  }
0x68: {  	[tilespmem:s16], [sflag:$0x2] =	stream.indirect.gather [hbm4b:s4+s13], $0x80, s15, s13, $0xb8;
	[tilespmem:$0x10200] =	vst v63  }
.Ltmp0:
0x69: {  	_ = 	snop;
	(pc) =	sbr.rel @p0 .LBB2_2-.Ltmp0, $4  }
0x6a: {  	[tilespmem:s18], [sflag:$0x2] =	stream.indirect.gather [hbm4b:s4+s13], $0x80, s17, s13, $0xb8;
	[tilespmem:$0x10200] =	vst v63  }
0x6b: {  	s30 =	smov.u32 s28;
	_ =	swait.ge [sflag:s19], $0x8000  }
0x6c: {  	s25 =	sadd.s32 $0x40, s25;
	s28 =	sadd.s32 $0x2000, s28;
	[sflag:s19] =	ssyncset.done $0x0  }
0x6d: {  	s26 =	sadd.s32 $0x200, s26;
	s29 =	sadd.s32 $0x2000, s29;
	[sflag:s19] =	ssyncadd.s32 $0xFFFF8000  }
0x6e: {  	[hbm4b:s30+s3] =	stream.linear.scatter [tilespmem:s21], [sflag:$0x3], $0x8000, $0x38;
	[tilespmem:$0x10200] =	vst v63  }
0x6f: {  	_ =	swait.ge [sflag:s20], $0x8000  }
0x70: {  	[sflag:s20] =	ssyncset.done $0x0  }
0x71: {  	[sflag:s20] =	ssyncadd.s32 $0xFFFF8000  }
0x72: {  	s24 =	sadd.s32 $0x1, s24;
	_ =	swait.ge [sflag:s22], $0x8000  }
0x73: {  	p0 =	sne.s32 s24, s9;
	[sflag:s22] =	ssyncset.done $0x0  }
.Ltmp1:
0x74: {  	[sflag:s22] =	ssyncadd.s32 $0xFFFF8000;
	(pc) =	sbr.rel @p0 .LBB2_1-.Ltmp1, $4  }
0x75: {  	[hbm4b:s8+s3] =	stream.linear.scatter [tilespmem:s16], [sflag:$0x4], $0x8000, $0x38;
	[tilespmem:$0x10200] =	vst v63  }
0x76: {  	_ =	swait.ge [sflag:s23], $0x8000  }
0x77: {  	[sflag:s23] =	ssyncset.done $0x0  }
0x78: {  	[sflag:s23] =	ssyncadd.s32 $0xFFFF8000  }
0x79: {  	_ =	sfence.sel $0x180000  }
0x7a: {  	[bflag:$0x0] =	sbarrier.arrive $0xFFFF  }
0x7b: {  	_ =	strace $0x90000047  }
0x7c: {  	s0 =	stileid.u32;
	[bflag:$0x2] =	sbarrier.arrive $0xFFFF  }
0x7d: {  	p0 =	sne.s32 s0, $0x0;
	s0 =	rddreg [dreg:$0x2]  }
0x7e: {  	s0 =	sadd.s32 @!p0 $0x100000, s0  }
0x7f: {  	[sflag:s0] =	ssyncadd.tile.s32 @!p0 $0x1;
	_ =	shalt  }
.Lfunc_end2:
_tile_overlayer_lowered:
.L_overlay_start_2:
0x80: {  	(tag) =	ssettag $0x2  }
0x81: {  	s0 =	rddreg [dreg:$0x0];
	s2 =	stileid.u32  }
0x82: {  	s1 =	rddreg [dreg:$0x1];
	p0 =	sne.s32 s2, $0x0  }
0x83: {  	s3 =	rddreg [dreg:$0x2];
	[bflag:$0x3] =	sbarrier.arrive $0xFFFF;
	s2 =	simm.s32 @!p0 $0x1C05  }
0x84: {  	[timem:s3], [sflag:s2] =	dma.local @!p0 [hbm:s0], s1  }
0x85: {  	s0 =	simm.s32 @!p0 $0x5  }
0x86: {  	_ =	swait.ge @!p0 [sflag:s0], s1  }
0x87: {  	s1 =	ssub.s32 @!p0 $0x0, s1;
	[sflag:s0] =	ssyncset.done @!p0 $0x0  }
0x88: {  	[sflag:s0] =	ssyncadd.s32 @!p0 s1  }
0x89: {  	[bflag:$0x3] =	sbarrier.arrive $0xFFFF  }
0x8a: {  	_ =	shalt  }

// kernel: sparse-core-data-format-call.cloned.1.call-start
scs
called_computation_lowered:
.L_overlay_start_0:
0x0: {  	s2 =	sld [smem:$0x3FD9]  }
0x1: {  	s3 =	sld [smem:$0x3FFE];
	_ =	sdelay $0x1  }
0x2: {  	s1 =	srdreg.scid  }
0x3: {  	s0 =	sand.u32 $0x1, s1  }
0x4: {  	s18 =	sshll.u32 s0, $0xA;
	s2 =	sadd.s32 s3, s2  }
0x5: {  	s2 =	sadd.s32 s2, s18  }
0x6: {  	[smem:$0x3FC6] =	sst s2  }
0x7: {  	_ = 	snop  }
0x8: {  	s2 =	sld [smem:$0x3FD0];
	(tm) =	ssettm $0x1  }
0x9: {  	s19 =	sld [smem:$0x3FFB];
	_ =	sdelay $0x3  }
0xa: {  	_ =	strace s19  }
0xb: {  	s3 =	sld [smem:$0x3FFC];
	_ =	sdelay $0x3  }
0xc: {  	_ =	strace s3  }
0xd: {  	s3 =	sld [smem:$0x3FFD];
	_ =	sdelay $0x3  }
0xe: {  	_ =	strace s3  }
0xf: {  	_ =	strace $0x8FFFFFFF  }
0x10: {  	s20 =	sld [smem:$0x3FDB];
	_ =	sdelay $0x1  }
0x11: {  	s4 =	simm.s32 $_scs_section_size  }
0x12: {  	s5 =	simm.s32 $_size__tile_overlayer_lowered;
	s6 =	simm.s32 $_tile_overlayer_lowered  }
0x13: {  	s23 =	simm.s32 $0x1BFF;
	s22 =	sshll.u32 s6, $0x1;
	s3 =	sadd.s32 s4, s20  }
0x14: {  	s7 =	simm.s32 $0x0;
	s21 =	sshll.u32 s5, $0x1;
	s5 =	sadd.s32 s22, s3  }
0x15: {  	[timem:s7], [sflag:s23] =	dma.local [hbm:s5], s21  }
0x16: {  	_ =	swait.ge [sflag:s23], s21  }
0x17: {  	s4 =	ssub.s32 $0x0, s21;
	[sflag:s23] =	ssyncset.done $0x0  }
0x18: {  	[sflag:s23] =	ssyncadd.s32 s4;
	_ =	sdelay $0x1  }
0x19: {  	s24 =	simm.s32 $0x1B8B  }
0x1a: {  	_ =	swait.ge [sflag:s24], $0x1  }
0x1b: {  	[sflag:s24] =	ssyncset.done $0x0  }
0x1c: {  	s26 =	simm.s32 $0x1B8E;
	s25 =	sld [smem:$0x3FFE];
	[sflag:s24] =	ssyncadd.s32 $0xFFFFFFFF  }
0x1d: {  	s27 =	simm.s32 $execute0_lowered;
	[smem:$0x3FD2] =	sst s26  }
0x1e: {  	s5 =	sshll.u32 s27, $0x1;
	_ =	strace $0x80000049;
	[dreg:$0x1] =	wrdreg $0xFFFFFFFF  }
0x1f: {  	s28 =	simm.s32 $_size_execute0_lowered;
	s3 =	sadd.s32 s3, s5;
	[dreg:$0x0] =	wrdreg $0x0  }
0x20: {  	s5 =	sshll.u32 s28, $0x1;
	[dreg:$0x2] =	wrdreg s3  }
0x21: {  	[dreg:$0x3] =	wrdreg s5  }
0x22: {  	[dreg:$0x4] =	wrdreg $0xC0  }
0x23: {  	_ =	task [dreg:s7], $0x5FFFF  }
0x24: {  	[dreg:$0x1] =	wrdreg $0xFFFFFFFF  }
0x25: {  	[dreg:$0x0] =	wrdreg $0x60  }
0x26: {  	[dreg:$0x2] =	wrdreg s25  }
0x27: {  	[dreg:$0x3] =	wrdreg s2  }
0x28: {  	[dreg:$0x4] =	wrdreg $0x9  }
0x29: {  	_ =	task.clear_ibuf [dreg:s7], $0x5FFFF;
	_ =	strace $0x90000049  }
0x2a: {  	s29 =	simm.s32 $0x9;
	_ =	strace $0x8000004B  }
0x2b: {  	_ =	swait.ge [sflag:s29], $0x1  }
0x2c: {  	[sflag:s29] =	ssyncadd.s32 $0xFFFFFFFF  }
0x2d: {  	_ =	strace $0x9000004B  }
0x2e: {  	_ =	sfence  }
0x2f: {  	s30 =	sld [smem:$0x0];
	_ =	sdelay $0x2  }
0x30: {  	s31 =	sshll.u32 s1, $0xD;
	s1 =	sshrl.u32 s1, $0x2  }
0x31: {  	s3 =	sand.u32 $0x4000, s31;
	s1 =	sadd.s32 s1, s30  }
0x32: {  	s0 =	sor.u32 s3, s0;
	s1 =	sshll.u32 s1, $0x11  }
0x33: {  	s0 =	sor.u32 s1, s0  }
0x34: {  	s0 =	sadd.s32 $0x8F2B, s0  }
0x35: {  	[sflag:s0] =	ssyncadd.remote.s32 $0x1  }
0x36: {  	_ =	sfence.sel $0xFFFF  }
0x37: {  	[dreg:$0x0] =	wrdreg $0xFFFFFFFF;
	(pc) =	sbr.abs _section_cstart, $3  }
0x38: {  	[dreg:$0x1] =	wrdreg $0xFFFFFFFF  }
0x39: {  	_ =	task.clear_ibuf [dreg:s7], $0x2FFFF;
	_ =	strace $0x9FFFFFFF  }
0x3a: {  	(tm) =	ssettm $0x7FFFFFFF  }
0x3b: {  	_ =	shalt  }
tec
execute0_lowered:
.L_overlay_start_1:
0x0: {  	(tag) =	ssettag $0x1  }
0x1: {  	s0 =	srdreg.scid  }
0x2: {  	s1 =	sshll.u32 s0, $0x4  }
0x3: {  	s0 =	stileid.u32;
	s1 =	sand.u32 $0x10, s1  }
0x4: {  	s1 =	sor.u32 s0, s1  }
0x5: {  	s6 =	rddreg [dreg:$0x0];
	s4 =	simm.s32 $0x1;
	s2 =	sshll.u32 s1, $0x7  }
0x6: {  	s7 =	simm.s32 $0x2;
	s12 =	simm.s32 $0x0;
	s1 =	ssub.s32 $0x1000, s2  }
0x7: {  	s8 =	simm.s32 $0x8000;
	s13 =	simm.s32 $0x0;
	s3 =	sand.u32 $0xF80, s1  }
0x8: {  	s9 =	simm.s32 $0x0;
	s5 =	sshrl.u32 s1, $0xC;
	p0 =	sne.s32 s3, $0x0  }
.Ltmp0:
0x9: {  	s1 =	rddreg [dreg:$0x2];
	s4 =	simm.s32 @!p0 $0x0;
	(pc) =	sbr.rel .LBB1_1-.Ltmp0, $4  }
0xa: {  	s11 =	simm.s32 $0x0;
	s3 =	rddreg [dreg:$0x1];
	s5 =	sadd.s32 s4, s5  }
0xb: {  	_ =	strace $0x8000004A;
	s4 =	simm.s32 $0x1;
	s5 =	smul.u32 $0xC8, s5  }
0xc: {  	s6 =	sadd.s32 $0xA00, s6;
	s10 =	smov.u32 s2;
	[sflag:s4] =	ssyncpa.u1 $0x0  }
0xd: {  	p0 =	por $0x0, $0x0;
	[sflag:s7] =	ssyncpa.u1 $0x0;
	s7 =	sor.u32 $0x1, s5  }
.LBB1_4:
0xe: {  	s16 =	sshll.u32 s13, $0x3;
	s17 =	sand.u32 $0x78, s13  }
0xf: {  	s30 =	sand.u32 $0x7E00, s13;
	s12 =	sshll.u32 s12, $0xF;
	s16 =	sand.u32 $0xC00, s16  }
0x10: {  	[tilespmem:s15+$0x810 ss:$0x81] =	vst.msk $0xffff, v2;
	s31 =	sand.u32 $0x7, s13;
	s16 =	sor.u32 s17, s16;
	s17 =	sadd.s32 s3, s30  }
0x11: {  	[tilespmem:s15+$0x1020 ss:$0x81] =	vst.msk $0xffff, v0;
	s13 =	sshll.u32 s31, $0x12;
	s12 =	sadd.s32 s12, s17;
	s16 =	sshrl.u32 s16, $0x3  }
0x12: {  	[tilespmem:s15+$0x0 ss:$0x81] =	vst.msk $0xffff, v1;
	s13 =	sor.u32 $0x400, s13;
	s12 =	sadd.s32 s16, s12  }
0x13: {  	[hbm4b:s12+s13] =	stream.strided.scatter [tilespmem:s14], [sflag:$0x2], $0x2000, s8, s13, $0x20;
	[tilespmem:$0x8080] =	vst v63  }
.LBB1_5:
0x14: {  	s14 =	sadd.s32 $0x1, s9  }
0x15: {  	s12 =	sadd.s32 $0x1000, s10;
	s16 =	smov.u32 s10;
	p2 =	sgt.s32 s14, $0xC7  }
0x16: {  	s16 =	smov.u32 @p2 s12  }
0x17: {  	s14 =	simm.s32 @p2 $0x0;
	p2 =	sgt.s32 s16, $0xFFF  }
0x18: {  	s16 =	smov.u32 @p2 s2;
	p2 =	sne.s32 s11, s7  }
.Ltmp1:
0x19: {  	p1 =	slt.u32 s11, $0x2;
	(pc) =	sbr.rel @!p2 .LBB1_6-.Ltmp1, $4  }
0x1a: {  	s15 =	simm.s32 @!p1 $0x2  }
0x1b: {  	s13 =	smov.u32 s10;
	p0 =	por !p0, !p0;
	_ =	swait.ge @!p1 [sflag:s15], $0x2000  }
0x1c: {  	s12 =	smov.u32 s9;
	[sflag:s15] =	ssyncset.done @!p1 $0x0;
	s9 =	smov.u32 s14  }
0x1d: {  	s11 =	sadd.s32 $0x1, s11;
	[sflag:s15] =	ssyncadd.s32 @!p1 $0xFFFFE000;
	s10 =	smov.u32 s16  }
.LBB1_1:
0x1e: {  	p1 =	sge.u32 s11, s5  }
0x1f: {  	s14 =	sand.u32 @!p1 $0x1FFFFFF, s9  }
0x20: {  	s15 =	smulhi.u32 @!p1 $0x147AE15, s14;
	_ =	sdelay $0x1  }
0x21: {  	s15 =	smul.u32 @!p1 $0xC8, s15  }
0x22: {  	s16 =	sxor.u32 @!p1 $0xFFFFFFFF, s11;
	s17 =	smul.u32 @!p1 $0xC80, s10  }
0x23: {  	s31 =	sadd.s32 $0xFFFFFFFF, s11;
	s16 =	sshll.u32 @!p1 s16, $0xD;
	s14 =	ssub.s32 @!p1 s14, s15  }
0x24: {  	s15 =	sand.u32 @!p1 $0x2000, s16;
	s16 =	sadd.s32 @!p1 s6, s17;
	s14 =	sshll.u32 @!p1 s14, $0x4  }
0x25: {  	s17 =	simm.s32 @!p1 $0x6400;
	s14 =	sadd.s32 @!p1 s14, s16;
	s16 =	simm.s32 @!p1 $0x40  }
0x26: {  	[tilespmem:s15], [sflag:$0x1] =	stream.strided.gather @!p1 [hbm4b:s14+s16], $0x2000, s17, s16, $0x38;
	[tilespmem:$0x8080] =	vst v63  }
0x27: {  	p1 =	sge.u32 s31, s5  }
.Ltmp2:
0x28: {  	_ = 	snop;
	(pc) =	sbr.rel @p1 .LBB1_5-.Ltmp2, $1  }
0x29: {  	_ =	sdelay $0x3  }
0x2a: {  	s14 =	simm.s32 $0x1  }
0x2b: {  	_ =	swait.ge [sflag:s4], $0x2000;
	s14 =	simm.s32 @!p0 $0x0  }
0x2c: {  	[sflag:s4] =	ssyncset.done $0x0;
	s15 =	sshll.u32 s14, $0xD  }
0x2d: {  	[sflag:s4] =	ssyncadd.s32 $0xFFFFE000;
	s18 =	sor.u32 $0x20, s15  }
0x2e: {  	s14 =	smul.u32 $0x8100, s14;
	v3 =	vld [tilespmem:s18+$0x10]  }
0x2f: {  	s30 =	sand.u32 $0x1, s11;
	v2 =	vld [tilespmem:s18+$0xFFFFFFF0]  }
0x30: {  	s15 =	smul.u32 $0x8100, s30;
	s14 =	sshrl.u32 s14, $0x2;
	v0 =	vld [tilespmem:s18+$0x0]  }
0x31: {  	v1 =	vld [tilespmem:s18+$0xFFFFFFE0];
	s16 =	sor.u32 $0x4000, s14  }
0x32: {  	s31 =	sshrl.u32 s15, $0x2;
	s15 =	sadd.s32 $0x0, s16  }
0x33: {  	s17 =	simm.s32 $0x4;
	s18 =	sadd.s32 $0x40, s18;
	s14 =	sor.u32 $0x4000, s31;
	[tilespmem:s15+$0x1830 ss:$0x81] =	vst.msk $0xffff, v3  }
.LBB1_3:
0x34: {  	v3 =	vld [tilespmem:s18+$0x10];
	p1 =	sne.s32 s17, $0x1FC;
	[tilespmem:s15+$0x810 ss:$0x81] =	vst.msk $0xffff, v2;
	s19 =	smov.u32 s17;
	s17 =	sadd.s32 $0x4, s17  }
.Ltmp3:
0x35: {  	v2 =	vld [tilespmem:s18+$0xFFFFFFF0];
	[tilespmem:s15+$0x1020 ss:$0x81] =	vst.msk $0xffff, v0;
	(pc) =	sbr.rel @p1 .LBB1_3-.Ltmp3, $4  }
0x36: {  	v0 =	vld [tilespmem:s18+$0x0];
	[tilespmem:s15+$0x0 ss:$0x81] =	vst.msk $0xffff, v1  }
0x37: {  	s15 =	sshra.s32 s19, $0x2;
	v1 =	vld [tilespmem:s18+$0xFFFFFFE0]  }
0x38: {  	s15 =	sadd.s32 s15, s16  }
0x39: {  	s18 =	sadd.s32 $0x40, s18;
	[tilespmem:s15+$0x1830 ss:$0x81] =	vst.msk $0xffff, v3  }
.Ltmp4:
0x3a: {  	_ = 	snop;
	(pc) =	sbr.rel .LBB1_4-.Ltmp4, $1  }
0x3b: {  	_ =	sdelay $0x3  }
.LBB1_6:
0x3c: {  	_ =	sfence.sel $0x180000  }
0x3d: {  	s2 =	simm.s32 $0x1;
	[bflag:$0x0] =	sbarrier.arrive $0xFFFF  }
0x3e: {  	s31 =	simm.s32 $0x2;
	[sflag:s2] =	ssyncpa.u1 $0x1  }
0x3f: {  	[sflag:s31] =	ssyncpa.u1 $0x1  }
0x40: {  	p0 =	sne.s32 s0, $0x0;
	_ =	strace $0x9000004A  }
0x41: {  	s0 =	sadd.s32 @!p0 $0x100000, s1;
	[bflag:$0x2] =	sbarrier.arrive $0xFFFF  }
0x42: {  	[sflag:s0] =	ssyncadd.tile.s32 @!p0 $0x1;
	_ =	shalt  }
.Lfunc_end1:
_tile_overlayer_lowered:
.L_overlay_start_2:
0x43: {  	(tag) =	ssettag $0x2  }
0x44: {  	s0 =	rddreg [dreg:$0x0];
	s2 =	stileid.u32  }
0x45: {  	s1 =	rddreg [dreg:$0x1];
	p0 =	sne.s32 s2, $0x0  }
0x46: {  	s3 =	rddreg [dreg:$0x2];
	[bflag:$0x3] =	sbarrier.arrive $0xFFFF;
	s2 =	simm.s32 @!p0 $0x1C01  }
0x47: {  	[timem:s3], [sflag:s2] =	dma.local @!p0 [hbm:s0], s1  }
0x48: {  	s0 =	simm.s32 @!p0 $0x1  }
0x49: {  	_ =	swait.ge @!p0 [sflag:s0], s1  }
0x4a: {  	s1 =	ssub.s32 @!p0 $0x0, s1;
	[sflag:s0] =	ssyncset.done @!p0 $0x0  }
0x4b: {  	[sflag:s0] =	ssyncadd.s32 @!p0 s1  }
0x4c: {  	[bflag:$0x3] =	sbarrier.arrive $0xFFFF  }
0x4d: {  	_ =	shalt  }

</sc_bundles>
